<compile_context>
chip_gen: v7x
topology: tpu7x:2x2x1
jax: 0.10.2.dev20260603
libtpu: 0.0.44.dev20260713+nightly
codegen_flags: <defaults>
</compile_context>

<pallas_src>
import functools

import jax
import jax.numpy as jnp
from jax import lax
from jax.experimental import pallas as pl
from jax.experimental.pallas import tpu as pltpu
from jax.experimental.pallas import tpu_sc as plsc

N_POINTS = 20000
NUM_CLASSES = 20
C = NUM_CLASSES + 1

NC = 2
NS = 16
L = 16
NW = NC * NS

PT = 640
STEP = 624
G = PT // L
NMAIN = 19968
NTAIL = N_POINTS - NMAIN


def _argmax_tree(vals):
    pairs = [(v, j) for j, v in enumerate(vals)]
    while len(pairs) > 1:
        nxt = []
        for i in range(0, len(pairs) - 1, 2):
            (av, ai), (bv, bi) = pairs[i], pairs[i + 1]
            gt = bv > av
            idx_a = jnp.full((L,), ai, jnp.int32) if isinstance(ai, int) else ai
            idx_b = jnp.full((L,), bi, jnp.int32) if isinstance(bi, int) else bi
            nxt.append((jnp.maximum(av, bv), jnp.where(gt, idx_b, idx_a)))
        if len(pairs) % 2:
            nxt.append(pairs[-1])
        pairs = nxt
    mv, mi = pairs[0]
    mi = jnp.full((L,), mi, jnp.int32) if isinstance(mi, int) else mi
    return mv, mi


def _sum_tree(vals):
    while len(vals) > 1:
        nxt = [vals[i] + vals[i + 1] for i in range(0, len(vals) - 1, 2)]
        if len(vals) % 2:
            nxt.append(vals[-1])
        vals = nxt
    return vals[0]


@functools.partial(
    pl.kernel,
    out_type=(
        jax.ShapeDtypeStruct((2, N_POINTS), jnp.float32),
        jax.ShapeDtypeStruct((N_POINTS,), jnp.int32),
    ),
    mesh=plsc.VectorSubcoreMesh(core_axis_name="c", subcore_axis_name="s",
                                num_cores=NC, num_subcores=NS),
    compiler_params=pltpu.CompilerParams(needs_layout_passes=False),
    scratch_types=(
        pltpu.VMEM((2, PT), jnp.float32),
        pltpu.VMEM((C, PT), jnp.float32),
        pltpu.VMEM((NUM_CLASSES + 3,), jnp.float32),
        pltpu.VMEM((2, PT), jnp.float32),
        pltpu.VMEM((PT,), jnp.int32),
        pltpu.VMEM((C, NTAIL), jnp.float32),
        pltpu.VMEM((2, NTAIL), jnp.float32),
        pltpu.VMEM((2, NTAIL), jnp.float32),
        pltpu.VMEM((NTAIL,), jnp.int32),
    )
    + tuple(pltpu.SemaphoreType.DMA for _ in range(3)),
)
def _sc_select(pts_h, sc_h, aux_h, co_h, cl_h,
               pts_v, sc_v, aux_v, co_v, cl_v,
               tsc_v, tpt_v, tco_v, tcl_v, s0, s1, s2):
    wid = lax.axis_index("s") * NC + lax.axis_index("c")
    is_last = wid == NW - 1
    base = pl.multiple_of((STEP * wid) & ~127, 128)

    d0 = pltpu.async_copy(sc_h.at[:, pl.ds(base, PT)], sc_v, s0)
    d1 = pltpu.async_copy(pts_h.at[:, pl.ds(base, PT)], pts_v, s1)
    d2 = pltpu.async_copy(aux_h, aux_v, s2)
    d0.wait()
    d1.wait()
    d2.wait()

    wv = plsc.load_gather(aux_v, [jnp.full((L,), NUM_CLASSES + 1, jnp.int32)])
    hv = plsc.load_gather(aux_v, [jnp.full((L,), NUM_CLASSES + 2, jnp.int32)])

    def select(x, y, vals):
        m, am = _argmax_tree(vals)
        s = _sum_tree([jnp.exp(v - m) for v in vals])
        maxprob = 1.0 / s
        thrv = plsc.load_gather(aux_v, [am])
        valid = (x >= 0.0) & (x < wv) & (y >= 0.0) & (y < hv)
        res = valid & (maxprob >= thrv)
        return res, am

    @plsc.parallel_loop(0, G, step=1, unroll=1)
    def group(g):
        b16 = g * L
        x = pts_v[0, pl.ds(b16, L)]
        y = pts_v[1, pl.ds(b16, L)]
        vals = [sc_v[j, pl.ds(b16, L)] for j in range(C)]
        res, am = select(x, y, vals)
        co_v[0, pl.ds(b16, L)] = jnp.where(res, x, -1.0)
        co_v[1, pl.ds(b16, L)] = jnp.where(res, y, -1.0)
        cl_v[pl.ds(b16, L)] = jnp.where(res, am, -1)

    o0 = pltpu.async_copy(co_v, co_h.at[:, pl.ds(base, PT)], s0)
    o1 = pltpu.async_copy(cl_v, cl_h.at[pl.ds(base, PT)], s1)
    o0.wait()
    o1.wait()

    @pl.when(is_last)
    def _tail():
        tb = NMAIN
        t0 = pltpu.async_copy(sc_h.at[:, pl.ds(tb, NTAIL)], tsc_v, s0)
        t1 = pltpu.async_copy(pts_h.at[:, pl.ds(tb, NTAIL)], tpt_v, s1)
        t0.wait()
        t1.wait()
        for g in range(NTAIL // L):
            b16 = g * L
            x = tpt_v[0, pl.ds(b16, L)]
            y = tpt_v[1, pl.ds(b16, L)]
            vals = [tsc_v[j, pl.ds(b16, L)] for j in range(C)]
            res, am = select(x, y, vals)
            tco_v[0, pl.ds(b16, L)] = jnp.where(res, x, -1.0)
            tco_v[1, pl.ds(b16, L)] = jnp.where(res, y, -1.0)
            tcl_v[pl.ds(b16, L)] = jnp.where(res, am, -1)
        t2 = pltpu.async_copy(tco_v, co_h.at[:, pl.ds(tb, NTAIL)], s0)
        t3 = pltpu.async_copy(tcl_v, cl_h.at[pl.ds(tb, NTAIL)], s1)
        t2.wait()
        t3.wait()


def kernel(points, scores, score_thr, h, w):
    aux = jnp.concatenate([
        score_thr.astype(jnp.float32),
        jnp.full((1,), jnp.inf, jnp.float32),
        jnp.asarray(w, jnp.float32)[None],
        jnp.asarray(h, jnp.float32)[None],
    ])
    ct, cl = _sc_select(points.T, scores.T, aux)
    pred_coords = ct.T
    pred_classes = cl
    reserved = cl >= 0
    return pred_coords, pred_classes, reserved

# --- scband reference (transcript-rebuilt; emitter-appended) ---
"""Pipeline reference for scband-co-learner-78932908966111 (READ-ONLY COPY).

The authoritative reference and input builder live on the scoring server;
editing this copy changes nothing except your own understanding.
"""

import jax, jax.numpy as jnp
import numpy as np

N = 20000
NUM_CLASSES = 20
H = 512
W = 512


def setup_inputs(seed: int = 0) -> dict:
    key = jax.random.key(seed)
    k1, k2, k3 = jax.random.split(key, 3)
    # candidate keypoint coordinates (some deliberately out of image bounds)
    points = jax.random.uniform(k1, (N, 2), minval=-10.0, maxval=float(W) + 10.0, dtype=jnp.float32)
    # raw logits over num_classes + background
    scores = jax.random.normal(k2, (N, NUM_CLASSES + 1), dtype=jnp.float32)
    # per-class score thresholds
    score_thr = jax.random.uniform(k3, (NUM_CLASSES,), minval=0.05, maxval=0.5, dtype=jnp.float32)
    return {"points": points, "scores": scores, "score_thr": score_thr, "h": H, "w": W}


def reference(points, scores, score_thr, h, w):
    # Faithful jax translation of CoLearner.make_pseudo_labels post-processing:
    # softmax over logits, validity filtering of points, per-class score-threshold
    # suppression (the NMS-like pseudo-label selection step).
    probs = jax.nn.softmax(scores, axis=-1)
    classes = jnp.argmax(probs, axis=-1)
    num_classes = score_thr.shape[0]
    # valid_flag: inside image bounds and not background class
    valid = (
        (points[:, 0] >= 0)
        & (points[:, 0] < w)
        & (points[:, 1] >= 0)
        & (points[:, 1] < h)
        & (classes < num_classes)
    )
    cls_clipped = jnp.clip(classes, 0, num_classes - 1)
    # score of the argmax class for each point (gather)
    cls_scores = jnp.take_along_axis(probs, cls_clipped[:, None], axis=-1)[:, 0]
    # per-class threshold gather: _reserved[classes==i] &= scores[classes==i, i] >= score_thr[i]
    thr = jnp.take(score_thr, cls_clipped, axis=0)
    reserved = valid & (cls_scores >= thr)
    # static-shape masked outputs (boolean indexing replaced by where-mask for jit)
    pred_coords = jnp.where(reserved[:, None], points, -1.0)
    pred_classes = jnp.where(reserved, cls_clipped, -1)
    return pred_coords, pred_classes, reserved

if __name__ == "__main__":
    import jax
    _d = setup_inputs()
    print(jax.jit(kernel)(*tuple(_d.values())))

</pallas_src>

<mosaic_0001>
#map = affine_map<(d0, d1) -> (0, 0)>
#map1 = affine_map<(d0, d1) -> (0)>
module attributes {stable_mosaic.version = 14 : i64} {
  func.func @_sc_select(%arg0: i32, %arg1: i32, %arg2: memref<2x20000xf32, #tpu.memory_space<hbm>>, %arg3: memref<21x20000xf32, #tpu.memory_space<hbm>>, %arg4: memref<23xf32, #tpu.memory_space<hbm>>, %arg5: memref<2x20000xf32, #tpu.memory_space<hbm>>, %arg6: memref<20000xi32, #tpu.memory_space<hbm>>, %arg7: memref<2x640xf32, #tpu.memory_space<vmem>>, %arg8: memref<21x640xf32, #tpu.memory_space<vmem>>, %arg9: memref<23xf32, #tpu.memory_space<vmem>>, %arg10: memref<2x640xf32, #tpu.memory_space<vmem>>, %arg11: memref<640xi32, #tpu.memory_space<vmem>>, %arg12: memref<21x32xf32, #tpu.memory_space<vmem>>, %arg13: memref<2x32xf32, #tpu.memory_space<vmem>>, %arg14: memref<2x32xf32, #tpu.memory_space<vmem>>, %arg15: memref<32xi32, #tpu.memory_space<vmem>>, %arg16: memref<!tpu.dma_semaphore, #tpu.memory_space<semaphore_mem>>, %arg17: memref<!tpu.dma_semaphore, #tpu.memory_space<semaphore_mem>>, %arg18: memref<!tpu.dma_semaphore, #tpu.memory_space<semaphore_mem>>) attributes {dimension_semantics = [#tpu.dimension_semantics<core_parallel>, #tpu.dimension_semantics<subcore_parallel>], iteration_bounds = array<i64: 2, 16>, scalar_prefetch = 0 : i64, scratch_operands = 12 : i64, tpu.core_type = #tpu.core_type<sc_vector_subcore>, window_params = [{transform_indices = #map}, {transform_indices = #map}, {transform_indices = #map1}, {transform_indices = #map}, {transform_indices = #map1}]} {
    %mul3A = arith.constant 2 : i32
    %mul3A_0 = arith.muli %arg1, %mul3A : i32
    %add3A = arith.addi %mul3A_0, %arg0 : i32
    %eq3A = arith.constant 31 : i32
    %eq3A_1 = arith.cmpi eq, %add3A, %eq3A : i32
    %mul3A_2 = arith.constant 624 : i32
    %mul3A_3 = arith.muli %mul3A_2, %add3A : i32
    %and3A = arith.constant -128 : i32
    %and3A_4 = arith.andi %mul3A_3, %and3A : i32
    %multiple_of3A = tpu.assume_multiple %and3A_4, 128 : i32
    %dma_start3A = arith.constant 0 : i32
    %dma_start3A_5 = tpu.memref_slice %arg3[%dma_start3A, %multiple_of3A] : memref<21x20000xf32, #tpu.memory_space<hbm>> -> memref<21x640xf32, #tpu.memory_space<hbm>>
    %dma_start3A_6 = arith.constant 0 : i32
    %dma_start3A_7 = tpu.memref_slice %arg3[%dma_start3A_6, %multiple_of3A] : memref<21x20000xf32, #tpu.memory_space<hbm>> -> memref<21x640xf32, #tpu.memory_space<hbm>>
    tpu.enqueue_dma source(%dma_start3A_7 : memref<21x640xf32, #tpu.memory_space<hbm>>) target(%arg8 : memref<21x640xf32, #tpu.memory_space<vmem>>) target_semaphore(%arg16 : memref<!tpu.dma_semaphore, #tpu.memory_space<semaphore_mem>>)
    %dma_start3A_8 = arith.constant 0 : i32
    %dma_start3A_9 = tpu.memref_slice %arg2[%dma_start3A_8, %multiple_of3A] : memref<2x20000xf32, #tpu.memory_space<hbm>> -> memref<2x640xf32, #tpu.memory_space<hbm>>
    %dma_start3A_10 = arith.constant 0 : i32
    %dma_start3A_11 = tpu.memref_slice %arg2[%dma_start3A_10, %multiple_of3A] : memref<2x20000xf32, #tpu.memory_space<hbm>> -> memref<2x640xf32, #tpu.memory_space<hbm>>
    tpu.enqueue_dma source(%dma_start3A_11 : memref<2x640xf32, #tpu.memory_space<hbm>>) target(%arg7 : memref<2x640xf32, #tpu.memory_space<vmem>>) target_semaphore(%arg17 : memref<!tpu.dma_semaphore, #tpu.memory_space<semaphore_mem>>)
    tpu.enqueue_dma source(%arg4 : memref<23xf32, #tpu.memory_space<hbm>>) target(%arg9 : memref<23xf32, #tpu.memory_space<vmem>>) target_semaphore(%arg18 : memref<!tpu.dma_semaphore, #tpu.memory_space<semaphore_mem>>)
    %dma_wait3A = arith.constant 0 : i32
    %dma_wait3A_12 = tpu.memref_slice %arg3[%dma_wait3A, %multiple_of3A] : memref<21x20000xf32, #tpu.memory_space<hbm>> -> memref<21x640xf32, #tpu.memory_space<hbm>>
    %dma_wait3A_13 = arith.constant 0 : i32
    %dma_wait3A_14 = tpu.memref_slice %arg3[%dma_wait3A_13, %multiple_of3A] : memref<21x20000xf32, #tpu.memory_space<hbm>> -> memref<21x640xf32, #tpu.memory_space<hbm>>
    tpu.wait_dma2 semaphore(%arg16 : memref<!tpu.dma_semaphore, #tpu.memory_space<semaphore_mem>>) src(%dma_wait3A_14 : memref<21x640xf32, #tpu.memory_space<hbm>>) dst(%arg8 : memref<21x640xf32, #tpu.memory_space<vmem>>)
    %dma_wait3A_15 = arith.constant 0 : i32
    %dma_wait3A_16 = tpu.memref_slice %arg2[%dma_wait3A_15, %multiple_of3A] : memref<2x20000xf32, #tpu.memory_space<hbm>> -> memref<2x640xf32, #tpu.memory_space<hbm>>
    %dma_wait3A_17 = arith.constant 0 : i32
    %dma_wait3A_18 = tpu.memref_slice %arg2[%dma_wait3A_17, %multiple_of3A] : memref<2x20000xf32, #tpu.memory_space<hbm>> -> memref<2x640xf32, #tpu.memory_space<hbm>>
    tpu.wait_dma2 semaphore(%arg17 : memref<!tpu.dma_semaphore, #tpu.memory_space<semaphore_mem>>) src(%dma_wait3A_18 : memref<2x640xf32, #tpu.memory_space<hbm>>) dst(%arg7 : memref<2x640xf32, #tpu.memory_space<vmem>>)
    tpu.wait_dma2 semaphore(%arg18 : memref<!tpu.dma_semaphore, #tpu.memory_space<semaphore_mem>>) src(%arg4 : memref<23xf32, #tpu.memory_space<hbm>>) dst(%arg9 : memref<23xf32, #tpu.memory_space<vmem>>)
    %broadcast_in_dim3A = arith.constant 21 : i32
    %broadcast_in_dim3A_19 = vector.broadcast %broadcast_in_dim3A : i32 to vector<16xi32>
    %gather3A = tpu.vector_load_idx %arg9[%broadcast_in_dim3A_19] : memref<23xf32, #tpu.memory_space<vmem>>[vector<16xi32>], vector<16xf32>,
    %broadcast_in_dim3A_20 = arith.constant 22 : i32
    %broadcast_in_dim3A_21 = vector.broadcast %broadcast_in_dim3A_20 : i32 to vector<16xi32>
    %gather3A_22 = tpu.vector_load_idx %arg9[%broadcast_in_dim3A_21] : memref<23xf32, #tpu.memory_space<vmem>>[vector<16xi32>], vector<16xf32>,
    %parallel_loop3A = arith.constant 0 : i32
    %parallel_loop3A_23 = arith.constant 40 : i32
    %parallel_loop3A_24 = arith.constant 1 : i32
    scf.for %parallel_loop3A_38 = %parallel_loop3A to %parallel_loop3A_23 step %parallel_loop3A_24  : i32 {
      %parallel_loop3A_39 = arith.constant 16 : i32
      %parallel_loop3A_40 = arith.muli %parallel_loop3A_38, %parallel_loop3A_39 : i32
      %parallel_loop3A_41 = arith.constant 0 : i32
      %parallel_loop3A_42 = arith.index_cast %parallel_loop3A_41 : i32 to index
      %parallel_loop3A_43 = arith.index_cast %parallel_loop3A_40 : i32 to index
      %parallel_loop3A_44 = tpu.vector_load %arg7[%parallel_loop3A_42, %parallel_loop3A_43] {strides = array<i32>} : memref<2x640xf32, #tpu.memory_space<vmem>>, vector<16xf32>,
      %parallel_loop3A_45 = arith.constant 1 : i32
      %parallel_loop3A_46 = arith.index_cast %parallel_loop3A_45 : i32 to index
      %parallel_loop3A_47 = arith.index_cast %parallel_loop3A_40 : i32 to index
      %parallel_loop3A_48 = tpu.vector_load %arg7[%parallel_loop3A_46, %parallel_loop3A_47] {strides = array<i32>} : memref<2x640xf32, #tpu.memory_space<vmem>>, vector<16xf32>,
      %parallel_loop3A_49 = arith.constant 0 : i32
      %parallel_loop3A_50 = arith.index_cast %parallel_loop3A_49 : i32 to index
      %parallel_loop3A_51 = arith.index_cast %parallel_loop3A_40 : i32 to index
      %parallel_loop3A_52 = tpu.vector_load %arg8[%parallel_loop3A_50, %parallel_loop3A_51] {strides = array<i32>} : memref<21x640xf32, #tpu.memory_space<vmem>>, vector<16xf32>,
      %parallel_loop3A_53 = arith.constant 1 : i32
      %parallel_loop3A_54 = arith.index_cast %parallel_loop3A_53 : i32 to index
      %parallel_loop3A_55 = arith.index_cast %parallel_loop3A_40 : i32 to index
      %parallel_loop3A_56 = tpu.vector_load %arg8[%parallel_loop3A_54, %parallel_loop3A_55] {strides = array<i32>} : memref<21x640xf32, #tpu.memory_space<vmem>>, vector<16xf32>,
      %parallel_loop3A_57 = arith.constant 2 : i32
      %parallel_loop3A_58 = arith.index_cast %parallel_loop3A_57 : i32 to index
      %parallel_loop3A_59 = arith.index_cast %parallel_loop3A_40 : i32 to index
      %parallel_loop3A_60 = tpu.vector_load %arg8[%parallel_loop3A_58, %parallel_loop3A_59] {strides = array<i32>} : memref<21x640xf32, #tpu.memory_space<vmem>>, vector<16xf32>,
      %parallel_loop3A_61 = arith.constant 3 : i32
      %parallel_loop3A_62 = arith.index_cast %parallel_loop3A_61 : i32 to index
      %parallel_loop3A_63 = arith.index_cast %parallel_loop3A_40 : i32 to index
      %parallel_loop3A_64 = tpu.vector_load %arg8[%parallel_loop3A_62, %parallel_loop3A_63] {strides = array<i32>} : memref<21x640xf32, #tpu.memory_space<vmem>>, vector<16xf32>,
      %parallel_loop3A_65 = arith.constant 4 : i32
      %parallel_loop3A_66 = arith.index_cast %parallel_loop3A_65 : i32 to index
      %parallel_loop3A_67 = arith.index_cast %parallel_loop3A_40 : i32 to index
      %parallel_loop3A_68 = tpu.vector_load %arg8[%parallel_loop3A_66, %parallel_loop3A_67] {strides = array<i32>} : memref<21x640xf32, #tpu.memory_space<vmem>>, vector<16xf32>,
      %parallel_loop3A_69 = arith.constant 5 : i32
      %parallel_loop3A_70 = arith.index_cast %parallel_loop3A_69 : i32 to index
      %parallel_loop3A_71 = arith.index_cast %parallel_loop3A_40 : i32 to index
      %parallel_loop3A_72 = tpu.vector_load %arg8[%parallel_loop3A_70, %parallel_loop3A_71] {strides = array<i32>} : memref<21x640xf32, #tpu.memory_space<vmem>>, vector<16xf32>,
      %parallel_loop3A_73 = arith.constant 6 : i32
      %parallel_loop3A_74 = arith.index_cast %parallel_loop3A_73 : i32 to index
      %parallel_loop3A_75 = arith.index_cast %parallel_loop3A_40 : i32 to index
      %parallel_loop3A_76 = tpu.vector_load %arg8[%parallel_loop3A_74, %parallel_loop3A_75] {strides = array<i32>} : memref<21x640xf32, #tpu.memory_space<vmem>>, vector<16xf32>,
      %parallel_loop3A_77 = arith.constant 7 : i32
      %parallel_loop3A_78 = arith.index_cast %parallel_loop3A_77 : i32 to index
      %parallel_loop3A_79 = arith.index_cast %parallel_loop3A_40 : i32 to index
      %parallel_loop3A_80 = tpu.vector_load %arg8[%parallel_loop3A_78, %parallel_loop3A_79] {strides = array<i32>} : memref<21x640xf32, #tpu.memory_space<vmem>>, vector<16xf32>,
      %parallel_loop3A_81 = arith.constant 8 : i32
      %parallel_loop3A_82 = arith.index_cast %parallel_loop3A_81 : i32 to index
      %parallel_loop3A_83 = arith.index_cast %parallel_loop3A_40 : i32 to index
      %parallel_loop3A_84 = tpu.vector_load %arg8[%parallel_loop3A_82, %parallel_loop3A_83] {strides = array<i32>} : memref<21x640xf32, #tpu.memory_space<vmem>>, vector<16xf32>,
      %parallel_loop3A_85 = arith.constant 9 : i32
      %parallel_loop3A_86 = arith.index_cast %parallel_loop3A_85 : i32 to index
      %parallel_loop3A_87 = arith.index_cast %parallel_loop3A_40 : i32 to index
      %parallel_loop3A_88 = tpu.vector_load %arg8[%parallel_loop3A_86, %parallel_loop3A_87] {strides = array<i32>} : memref<21x640xf32, #tpu.memory_space<vmem>>, vector<16xf32>,
      %parallel_loop3A_89 = arith.constant 10 : i32
      %parallel_loop3A_90 = arith.index_cast %parallel_loop3A_89 : i32 to index
      %parallel_loop3A_91 = arith.index_cast %parallel_loop3A_40 : i32 to index
      %parallel_loop3A_92 = tpu.vector_load %arg8[%parallel_loop3A_90, %parallel_loop3A_91] {strides = array<i32>} : memref<21x640xf32, #tpu.memory_space<vmem>>, vector<16xf32>,
      %parallel_loop3A_93 = arith.constant 11 : i32
      %parallel_loop3A_94 = arith.index_cast %parallel_loop3A_93 : i32 to index
      %parallel_loop3A_95 = arith.index_cast %parallel_loop3A_40 : i32 to index
      %parallel_loop3A_96 = tpu.vector_load %arg8[%parallel_loop3A_94, %parallel_loop3A_95] {strides = array<i32>} : memref<21x640xf32, #tpu.memory_space<vmem>>, vector<16xf32>,
      %parallel_loop3A_97 = arith.constant 12 : i32
      %parallel_loop3A_98 = arith.index_cast %parallel_loop3A_97 : i32 to index
      %parallel_loop3A_99 = arith.index_cast %parallel_loop3A_40 : i32 to index
      %parallel_loop3A_100 = tpu.vector_load %arg8[%parallel_loop3A_98, %parallel_loop3A_99] {strides = array<i32>} : memref<21x640xf32, #tpu.memory_space<vmem>>, vector<16xf32>,
      %parallel_loop3A_101 = arith.constant 13 : i32
      %parallel_loop3A_102 = arith.index_cast %parallel_loop3A_101 : i32 to index
      %parallel_loop3A_103 = arith.index_cast %parallel_loop3A_40 : i32 to index
      %parallel_loop3A_104 = tpu.vector_load %arg8[%parallel_loop3A_102, %parallel_loop3A_103] {strides = array<i32>} : memref<21x640xf32, #tpu.memory_space<vmem>>, vector<16xf32>,
      %parallel_loop3A_105 = arith.constant 14 : i32
      %parallel_loop3A_106 = arith.index_cast %parallel_loop3A_105 : i32 to index
      %parallel_loop3A_107 = arith.index_cast %parallel_loop3A_40 : i32 to index
      %parallel_loop3A_108 = tpu.vector_load %arg8[%parallel_loop3A_106, %parallel_loop3A_107] {strides = array<i32>} : memref<21x640xf32, #tpu.memory_space<vmem>>, vector<16xf32>,
      %parallel_loop3A_109 = arith.constant 15 : i32
      %parallel_loop3A_110 = arith.index_cast %parallel_loop3A_109 : i32 to index
      %parallel_loop3A_111 = arith.index_cast %parallel_loop3A_40 : i32 to index
      %parallel_loop3A_112 = tpu.vector_load %arg8[%parallel_loop3A_110, %parallel_loop3A_111] {strides = array<i32>} : memref<21x640xf32, #tpu.memory_space<vmem>>, vector<16xf32>,
      %parallel_loop3A_113 = arith.constant 16 : i32
      %parallel_loop3A_114 = arith.index_cast %parallel_loop3A_113 : i32 to index
      %parallel_loop3A_115 = arith.index_cast %parallel_loop3A_40 : i32 to index
      %parallel_loop3A_116 = tpu.vector_load %arg8[%parallel_loop3A_114, %parallel_loop3A_115] {strides = array<i32>} : memref<21x640xf32, #tpu.memory_space<vmem>>, vector<16xf32>,
      %parallel_loop3A_117 = arith.constant 17 : i32
      %parallel_loop3A_118 = arith.index_cast %parallel_loop3A_117 : i32 to index
      %parallel_loop3A_119 = arith.index_cast %parallel_loop3A_40 : i32 to index
      %parallel_loop3A_120 = tpu.vector_load %arg8[%parallel_loop3A_118, %parallel_loop3A_119] {strides = array<i32>} : memref<21x640xf32, #tpu.memory_space<vmem>>, vector<16xf32>,
      %parallel_loop3A_121 = arith.constant 18 : i32
      %parallel_loop3A_122 = arith.index_cast %parallel_loop3A_121 : i32 to index
      %parallel_loop3A_123 = arith.index_cast %parallel_loop3A_40 : i32 to index
      %parallel_loop3A_124 = tpu.vector_load %arg8[%parallel_loop3A_122, %parallel_loop3A_123] {strides = array<i32>} : memref<21x640xf32, #tpu.memory_space<vmem>>, vector<16xf32>,
      %parallel_loop3A_125 = arith.constant 19 : i32
      %parallel_loop3A_126 = arith.index_cast %parallel_loop3A_125 : i32 to index
      %parallel_loop3A_127 = arith.index_cast %parallel_loop3A_40 : i32 to index
      %parallel_loop3A_128 = tpu.vector_load %arg8[%parallel_loop3A_126, %parallel_loop3A_127] {strides = array<i32>} : memref<21x640xf32, #tpu.memory_space<vmem>>, vector<16xf32>,
      %parallel_loop3A_129 = arith.constant 20 : i32
      %parallel_loop3A_130 = arith.index_cast %parallel_loop3A_129 : i32 to index
      %parallel_loop3A_131 = arith.index_cast %parallel_loop3A_40 : i32 to index
      %parallel_loop3A_132 = tpu.vector_load %arg8[%parallel_loop3A_130, %parallel_loop3A_131] {strides = array<i32>} : memref<21x640xf32, #tpu.memory_space<vmem>>, vector<16xf32>,
      %parallel_loop3A_133 = arith.cmpf ogt, %parallel_loop3A_56, %parallel_loop3A_52 : vector<16xf32>
      %parallel_loop3A_134 = arith.constant 0 : i32
      %parallel_loop3A_135 = vector.broadcast %parallel_loop3A_134 : i32 to vector<16xi32>
      %parallel_loop3A_136 = arith.constant 1 : i32
      %parallel_loop3A_137 = vector.broadcast %parallel_loop3A_136 : i32 to vector<16xi32>
      %parallel_loop3A_138 = arith.maximumf %parallel_loop3A_52, %parallel_loop3A_56 : vector<16xf32>
      %parallel_loop3A_139 = arith.select %parallel_loop3A_133, %parallel_loop3A_137, %parallel_loop3A_135 : vector<16xi1>, vector<16xi32>
      %parallel_loop3A_140 = arith.cmpf ogt, %parallel_loop3A_64, %parallel_loop3A_60 : vector<16xf32>
      %parallel_loop3A_141 = arith.constant 2 : i32
      %parallel_loop3A_142 = vector.broadcast %parallel_loop3A_141 : i32 to vector<16xi32>
      %parallel_loop3A_143 = arith.constant 3 : i32
      %parallel_loop3A_144 = vector.broadcast %parallel_loop3A_143 : i32 to vector<16xi32>
      %parallel_loop3A_145 = arith.maximumf %parallel_loop3A_60, %parallel_loop3A_64 : vector<16xf32>
      %parallel_loop3A_146 = arith.select %parallel_loop3A_140, %parallel_loop3A_144, %parallel_loop3A_142 : vector<16xi1>, vector<16xi32>
      %parallel_loop3A_147 = arith.cmpf ogt, %parallel_loop3A_72, %parallel_loop3A_68 : vector<16xf32>
      %parallel_loop3A_148 = arith.constant 4 : i32
      %parallel_loop3A_149 = vector.broadcast %parallel_loop3A_148 : i32 to vector<16xi32>
      %parallel_loop3A_150 = arith.constant 5 : i32
      %parallel_loop3A_151 = vector.broadcast %parallel_loop3A_150 : i32 to vector<16xi32>
      %parallel_loop3A_152 = arith.maximumf %parallel_loop3A_68, %parallel_loop3A_72 : vector<16xf32>
      %parallel_loop3A_153 = arith.select %parallel_loop3A_147, %parallel_loop3A_151, %parallel_loop3A_149 : vector<16xi1>, vector<16xi32>
      %parallel_loop3A_154 = arith.cmpf ogt, %parallel_loop3A_80, %parallel_loop3A_76 : vector<16xf32>
      %parallel_loop3A_155 = arith.constant 6 : i32
      %parallel_loop3A_156 = vector.broadcast %parallel_loop3A_155 : i32 to vector<16xi32>
      %parallel_loop3A_157 = arith.constant 7 : i32
      %parallel_loop3A_158 = vector.broadcast %parallel_loop3A_157 : i32 to vector<16xi32>
      %parallel_loop3A_159 = arith.maximumf %parallel_loop3A_76, %parallel_loop3A_80 : vector<16xf32>
      %parallel_loop3A_160 = arith.select %parallel_loop3A_154, %parallel_loop3A_158, %parallel_loop3A_156 : vector<16xi1>, vector<16xi32>
      %parallel_loop3A_161 = arith.cmpf ogt, %parallel_loop3A_88, %parallel_loop3A_84 : vector<16xf32>
      %parallel_loop3A_162 = arith.constant 8 : i32
      %parallel_loop3A_163 = vector.broadcast %parallel_loop3A_162 : i32 to vector<16xi32>
      %parallel_loop3A_164 = arith.constant 9 : i32
      %parallel_loop3A_165 = vector.broadcast %parallel_loop3A_164 : i32 to vector<16xi32>
      %parallel_loop3A_166 = arith.maximumf %parallel_loop3A_84, %parallel_loop3A_88 : vector<16xf32>
      %parallel_loop3A_167 = arith.select %parallel_loop3A_161, %parallel_loop3A_165, %parallel_loop3A_163 : vector<16xi1>, vector<16xi32>
      %parallel_loop3A_168 = arith.cmpf ogt, %parallel_loop3A_96, %parallel_loop3A_92 : vector<16xf32>
      %parallel_loop3A_169 = arith.constant 10 : i32
      %parallel_loop3A_170 = vector.broadcast %parallel_loop3A_169 : i32 to vector<16xi32>
      %parallel_loop3A_171 = arith.constant 11 : i32
      %parallel_loop3A_172 = vector.broadcast %parallel_loop3A_171 : i32 to vector<16xi32>
      %parallel_loop3A_173 = arith.maximumf %parallel_loop3A_92, %parallel_loop3A_96 : vector<16xf32>
      %parallel_loop3A_174 = arith.select %parallel_loop3A_168, %parallel_loop3A_172, %parallel_loop3A_170 : vector<16xi1>, vector<16xi32>
      %parallel_loop3A_175 = arith.cmpf ogt, %parallel_loop3A_104, %parallel_loop3A_100 : vector<16xf32>
      %parallel_loop3A_176 = arith.constant 12 : i32
      %parallel_loop3A_177 = vector.broadcast %parallel_loop3A_176 : i32 to vector<16xi32>
      %parallel_loop3A_178 = arith.constant 13 : i32
      %parallel_loop3A_179 = vector.broadcast %parallel_loop3A_178 : i32 to vector<16xi32>
      %parallel_loop3A_180 = arith.maximumf %parallel_loop3A_100, %parallel_loop3A_104 : vector<16xf32>
      %parallel_loop3A_181 = arith.select %parallel_loop3A_175, %parallel_loop3A_179, %parallel_loop3A_177 : vector<16xi1>, vector<16xi32>
      %parallel_loop3A_182 = arith.cmpf ogt, %parallel_loop3A_112, %parallel_loop3A_108 : vector<16xf32>
      %parallel_loop3A_183 = arith.constant 14 : i32
      %parallel_loop3A_184 = vector.broadcast %parallel_loop3A_183 : i32 to vector<16xi32>
      %parallel_loop3A_185 = arith.constant 15 : i32
      %parallel_loop3A_186 = vector.broadcast %parallel_loop3A_185 : i32 to vector<16xi32>
      %parallel_loop3A_187 = arith.maximumf %parallel_loop3A_108, %parallel_loop3A_112 : vector<16xf32>
      %parallel_loop3A_188 = arith.select %parallel_loop3A_182, %parallel_loop3A_186, %parallel_loop3A_184 : vector<16xi1>, vector<16xi32>
      %parallel_loop3A_189 = arith.cmpf ogt, %parallel_loop3A_120, %parallel_loop3A_116 : vector<16xf32>
      %parallel_loop3A_190 = arith.constant 16 : i32
      %parallel_loop3A_191 = vector.broadcast %parallel_loop3A_190 : i32 to vector<16xi32>
      %parallel_loop3A_192 = arith.constant 17 : i32
      %parallel_loop3A_193 = vector.broadcast %parallel_loop3A_192 : i32 to vector<16xi32>
      %parallel_loop3A_194 = arith.maximumf %parallel_loop3A_116, %parallel_loop3A_120 : vector<16xf32>
      %parallel_loop3A_195 = arith.select %parallel_loop3A_189, %parallel_loop3A_193, %parallel_loop3A_191 : vector<16xi1>, vector<16xi32>
      %parallel_loop3A_196 = arith.cmpf ogt, %parallel_loop3A_128, %parallel_loop3A_124 : vector<16xf32>
      %parallel_loop3A_197 = arith.constant 18 : i32
      %parallel_loop3A_198 = vector.broadcast %parallel_loop3A_197 : i32 to vector<16xi32>
      %parallel_loop3A_199 = arith.constant 19 : i32
      %parallel_loop3A_200 = vector.broadcast %parallel_loop3A_199 : i32 to vector<16xi32>
      %parallel_loop3A_201 = arith.maximumf %parallel_loop3A_124, %parallel_loop3A_128 : vector<16xf32>
      %parallel_loop3A_202 = arith.select %parallel_loop3A_196, %parallel_loop3A_200, %parallel_loop3A_198 : vector<16xi1>, vector<16xi32>
      %parallel_loop3A_203 = arith.cmpf ogt, %parallel_loop3A_145, %parallel_loop3A_138 : vector<16xf32>
      %parallel_loop3A_204 = arith.maximumf %parallel_loop3A_138, %parallel_loop3A_145 : vector<16xf32>
      %parallel_loop3A_205 = arith.select %parallel_loop3A_203, %parallel_loop3A_146, %parallel_loop3A_139 : vector<16xi1>, vector<16xi32>
      %parallel_loop3A_206 = arith.cmpf ogt, %parallel_loop3A_159, %parallel_loop3A_152 : vector<16xf32>
      %parallel_loop3A_207 = arith.maximumf %parallel_loop3A_152, %parallel_loop3A_159 : vector<16xf32>
      %parallel_loop3A_208 = arith.select %parallel_loop3A_206, %parallel_loop3A_160, %parallel_loop3A_153 : vector<16xi1>, vector<16xi32>
      %parallel_loop3A_209 = arith.cmpf ogt, %parallel_loop3A_173, %parallel_loop3A_166 : vector<16xf32>
      %parallel_loop3A_210 = arith.maximumf %parallel_loop3A_166, %parallel_loop3A_173 : vector<16xf32>
      %parallel_loop3A_211 = arith.select %parallel_loop3A_209, %parallel_loop3A_174, %parallel_loop3A_167 : vector<16xi1>, vector<16xi32>
      %parallel_loop3A_212 = arith.cmpf ogt, %parallel_loop3A_187, %parallel_loop3A_180 : vector<16xf32>
      %parallel_loop3A_213 = arith.maximumf %parallel_loop3A_180, %parallel_loop3A_187 : vector<16xf32>
      %parallel_loop3A_214 = arith.select %parallel_loop3A_212, %parallel_loop3A_188, %parallel_loop3A_181 : vector<16xi1>, vector<16xi32>
      %parallel_loop3A_215 = arith.cmpf ogt, %parallel_loop3A_201, %parallel_loop3A_194 : vector<16xf32>
      %parallel_loop3A_216 = arith.maximumf %parallel_loop3A_194, %parallel_loop3A_201 : vector<16xf32>
      %parallel_loop3A_217 = arith.select %parallel_loop3A_215, %parallel_loop3A_202, %parallel_loop3A_195 : vector<16xi1>, vector<16xi32>
      %parallel_loop3A_218 = arith.cmpf ogt, %parallel_loop3A_207, %parallel_loop3A_204 : vector<16xf32>
      %parallel_loop3A_219 = arith.maximumf %parallel_loop3A_204, %parallel_loop3A_207 : vector<16xf32>
      %parallel_loop3A_220 = arith.select %parallel_loop3A_218, %parallel_loop3A_208, %parallel_loop3A_205 : vector<16xi1>, vector<16xi32>
      %parallel_loop3A_221 = arith.cmpf ogt, %parallel_loop3A_213, %parallel_loop3A_210 : vector<16xf32>
      %parallel_loop3A_222 = arith.maximumf %parallel_loop3A_210, %parallel_loop3A_213 : vector<16xf32>
      %parallel_loop3A_223 = arith.select %parallel_loop3A_221, %parallel_loop3A_214, %parallel_loop3A_211 : vector<16xi1>, vector<16xi32>
      %parallel_loop3A_224 = arith.cmpf ogt, %parallel_loop3A_132, %parallel_loop3A_216 : vector<16xf32>
      %parallel_loop3A_225 = arith.constant 20 : i32
      %parallel_loop3A_226 = vector.broadcast %parallel_loop3A_225 : i32 to vector<16xi32>
      %parallel_loop3A_227 = arith.maximumf %parallel_loop3A_216, %parallel_loop3A_132 : vector<16xf32>
      %parallel_loop3A_228 = arith.select %parallel_loop3A_224, %parallel_loop3A_226, %parallel_loop3A_217 : vector<16xi1>, vector<16xi32>
      %parallel_loop3A_229 = arith.cmpf ogt, %parallel_loop3A_222, %parallel_loop3A_219 : vector<16xf32>
      %parallel_loop3A_230 = arith.maximumf %parallel_loop3A_219, %parallel_loop3A_222 : vector<16xf32>
      %parallel_loop3A_231 = arith.select %parallel_loop3A_229, %parallel_loop3A_223, %parallel_loop3A_220 : vector<16xi1>, vector<16xi32>
      %parallel_loop3A_232 = arith.cmpf ogt, %parallel_loop3A_227, %parallel_loop3A_230 : vector<16xf32>
      %parallel_loop3A_233 = arith.maximumf %parallel_loop3A_230, %parallel_loop3A_227 : vector<16xf32>
      %parallel_loop3A_234 = arith.select %parallel_loop3A_232, %parallel_loop3A_228, %parallel_loop3A_231 : vector<16xi1>, vector<16xi32>
      %parallel_loop3A_235 = arith.subf %parallel_loop3A_52, %parallel_loop3A_233 : vector<16xf32>
      %parallel_loop3A_236 = math.exp %parallel_loop3A_235 : vector<16xf32>
      %parallel_loop3A_237 = arith.subf %parallel_loop3A_56, %parallel_loop3A_233 : vector<16xf32>
      %parallel_loop3A_238 = math.exp %parallel_loop3A_237 : vector<16xf32>
      %parallel_loop3A_239 = arith.subf %parallel_loop3A_60, %parallel_loop3A_233 : vector<16xf32>
      %parallel_loop3A_240 = math.exp %parallel_loop3A_239 : vector<16xf32>
      %parallel_loop3A_241 = arith.subf %parallel_loop3A_64, %parallel_loop3A_233 : vector<16xf32>
      %parallel_loop3A_242 = math.exp %parallel_loop3A_241 : vector<16xf32>
      %parallel_loop3A_243 = arith.subf %parallel_loop3A_68, %parallel_loop3A_233 : vector<16xf32>
      %parallel_loop3A_244 = math.exp %parallel_loop3A_243 : vector<16xf32>
      %parallel_loop3A_245 = arith.subf %parallel_loop3A_72, %parallel_loop3A_233 : vector<16xf32>
      %parallel_loop3A_246 = math.exp %parallel_loop3A_245 : vector<16xf32>
      %parallel_loop3A_247 = arith.subf %parallel_loop3A_76, %parallel_loop3A_233 : vector<16xf32>
      %parallel_loop3A_248 = math.exp %parallel_loop3A_247 : vector<16xf32>
      %parallel_loop3A_249 = arith.subf %parallel_loop3A_80, %parallel_loop3A_233 : vector<16xf32>
      %parallel_loop3A_250 = math.exp %parallel_loop3A_249 : vector<16xf32>
      %parallel_loop3A_251 = arith.subf %parallel_loop3A_84, %parallel_loop3A_233 : vector<16xf32>
      %parallel_loop3A_252 = math.exp %parallel_loop3A_251 : vector<16xf32>
      %parallel_loop3A_253 = arith.subf %parallel_loop3A_88, %parallel_loop3A_233 : vector<16xf32>
      %parallel_loop3A_254 = math.exp %parallel_loop3A_253 : vector<16xf32>
      %parallel_loop3A_255 = arith.subf %parallel_loop3A_92, %parallel_loop3A_233 : vector<16xf32>
      %parallel_loop3A_256 = math.exp %parallel_loop3A_255 : vector<16xf32>
      %parallel_loop3A_257 = arith.subf %parallel_loop3A_96, %parallel_loop3A_233 : vector<16xf32>
      %parallel_loop3A_258 = math.exp %parallel_loop3A_257 : vector<16xf32>
      %parallel_loop3A_259 = arith.subf %parallel_loop3A_100, %parallel_loop3A_233 : vector<16xf32>
      %parallel_loop3A_260 = math.exp %parallel_loop3A_259 : vector<16xf32>
      %parallel_loop3A_261 = arith.subf %parallel_loop3A_104, %parallel_loop3A_233 : vector<16xf32>
      %parallel_loop3A_262 = math.exp %parallel_loop3A_261 : vector<16xf32>
      %parallel_loop3A_263 = arith.subf %parallel_loop3A_108, %parallel_loop3A_233 : vector<16xf32>
      %parallel_loop3A_264 = math.exp %parallel_loop3A_263 : vector<16xf32>
      %parallel_loop3A_265 = arith.subf %parallel_loop3A_112, %parallel_loop3A_233 : vector<16xf32>
      %parallel_loop3A_266 = math.exp %parallel_loop3A_265 : vector<16xf32>
      %parallel_loop3A_267 = arith.subf %parallel_loop3A_116, %parallel_loop3A_233 : vector<16xf32>
      %parallel_loop3A_268 = math.exp %parallel_loop3A_267 : vector<16xf32>
      %parallel_loop3A_269 = arith.subf %parallel_loop3A_120, %parallel_loop3A_233 : vector<16xf32>
      %parallel_loop3A_270 = math.exp %parallel_loop3A_269 : vector<16xf32>
      %parallel_loop3A_271 = arith.subf %parallel_loop3A_124, %parallel_loop3A_233 : vector<16xf32>
      %parallel_loop3A_272 = math.exp %parallel_loop3A_271 : vector<16xf32>
      %parallel_loop3A_273 = arith.subf %parallel_loop3A_128, %parallel_loop3A_233 : vector<16xf32>
      %parallel_loop3A_274 = math.exp %parallel_loop3A_273 : vector<16xf32>
      %parallel_loop3A_275 = arith.subf %parallel_loop3A_132, %parallel_loop3A_233 : vector<16xf32>
      %parallel_loop3A_276 = math.exp %parallel_loop3A_275 : vector<16xf32>
      %parallel_loop3A_277 = arith.addf %parallel_loop3A_236, %parallel_loop3A_238 : vector<16xf32>
      %parallel_loop3A_278 = arith.addf %parallel_loop3A_240, %parallel_loop3A_242 : vector<16xf32>
      %parallel_loop3A_279 = arith.addf %parallel_loop3A_244, %parallel_loop3A_246 : vector<16xf32>
      %parallel_loop3A_280 = arith.addf %parallel_loop3A_248, %parallel_loop3A_250 : vector<16xf32>
      %parallel_loop3A_281 = arith.addf %parallel_loop3A_252, %parallel_loop3A_254 : vector<16xf32>
      %parallel_loop3A_282 = arith.addf %parallel_loop3A_256, %parallel_loop3A_258 : vector<16xf32>
      %parallel_loop3A_283 = arith.addf %parallel_loop3A_260, %parallel_loop3A_262 : vector<16xf32>
      %parallel_loop3A_284 = arith.addf %parallel_loop3A_264, %parallel_loop3A_266 : vector<16xf32>
      %parallel_loop3A_285 = arith.addf %parallel_loop3A_268, %parallel_loop3A_270 : vector<16xf32>
      %parallel_loop3A_286 = arith.addf %parallel_loop3A_272, %parallel_loop3A_274 : vector<16xf32>
      %parallel_loop3A_287 = arith.addf %parallel_loop3A_277, %parallel_loop3A_278 : vector<16xf32>
      %parallel_loop3A_288 = arith.addf %parallel_loop3A_279, %parallel_loop3A_280 : vector<16xf32>
      %parallel_loop3A_289 = arith.addf %parallel_loop3A_281, %parallel_loop3A_282 : vector<16xf32>
      %parallel_loop3A_290 = arith.addf %parallel_loop3A_283, %parallel_loop3A_284 : vector<16xf32>
      %parallel_loop3A_291 = arith.addf %parallel_loop3A_285, %parallel_loop3A_286 : vector<16xf32>
      %parallel_loop3A_292 = arith.addf %parallel_loop3A_287, %parallel_loop3A_288 : vector<16xf32>
      %parallel_loop3A_293 = arith.addf %parallel_loop3A_289, %parallel_loop3A_290 : vector<16xf32>
      %parallel_loop3A_294 = arith.addf %parallel_loop3A_291, %parallel_loop3A_276 : vector<16xf32>
      %parallel_loop3A_295 = arith.addf %parallel_loop3A_292, %parallel_loop3A_293 : vector<16xf32>
      %parallel_loop3A_296 = arith.addf %parallel_loop3A_295, %parallel_loop3A_294 : vector<16xf32>
      %parallel_loop3A_297 = arith.constant 1.000000e+00 : f32
      %parallel_loop3A_298 = vector.broadcast %parallel_loop3A_297 : f32 to vector<16xf32>
      %parallel_loop3A_299 = arith.divf %parallel_loop3A_298, %parallel_loop3A_296 : vector<16xf32>
      %parallel_loop3A_300 = tpu.vector_load_idx %arg9[%parallel_loop3A_234] : memref<23xf32, #tpu.memory_space<vmem>>[vector<16xi32>], vector<16xf32>,
      %parallel_loop3A_301 = arith.constant 0.000000e+00 : f32
      %parallel_loop3A_302 = vector.broadcast %parallel_loop3A_301 : f32 to vector<16xf32>
      %parallel_loop3A_303 = arith.cmpf oge, %parallel_loop3A_44, %parallel_loop3A_302 : vector<16xf32>
      %parallel_loop3A_304 = arith.cmpf olt, %parallel_loop3A_44, %gather3A : vector<16xf32>
      %parallel_loop3A_305 = arith.andi %parallel_loop3A_303, %parallel_loop3A_304 : vector<16xi1>
      %parallel_loop3A_306 = arith.constant 0.000000e+00 : f32
      %parallel_loop3A_307 = vector.broadcast %parallel_loop3A_306 : f32 to vector<16xf32>
      %parallel_loop3A_308 = arith.cmpf oge, %parallel_loop3A_48, %parallel_loop3A_307 : vector<16xf32>
      %parallel_loop3A_309 = arith.andi %parallel_loop3A_305, %parallel_loop3A_308 : vector<16xi1>
      %parallel_loop3A_310 = arith.cmpf olt, %parallel_loop3A_48, %gather3A_22 : vector<16xf32>
      %parallel_loop3A_311 = arith.andi %parallel_loop3A_309, %parallel_loop3A_310 : vector<16xi1>
      %parallel_loop3A_312 = arith.cmpf oge, %parallel_loop3A_299, %parallel_loop3A_300 : vector<16xf32>
      %parallel_loop3A_313 = arith.andi %parallel_loop3A_311, %parallel_loop3A_312 : vector<16xi1>
      %parallel_loop3A_314 = arith.constant -1.000000e+00 : f32
      %parallel_loop3A_315 = vector.broadcast %parallel_loop3A_314 : f32 to vector<16xf32>
      %parallel_loop3A_316 = arith.select %parallel_loop3A_313, %parallel_loop3A_44, %parallel_loop3A_315 : vector<16xi1>, vector<16xf32>
      %parallel_loop3A_317 = arith.constant 0 : i32
      %parallel_loop3A_318 = arith.index_cast %parallel_loop3A_317 : i32 to index
      %parallel_loop3A_319 = arith.index_cast %parallel_loop3A_40 : i32 to index
      %parallel_loop3A_320 = tpu.vector_load %arg10[%parallel_loop3A_318, %parallel_loop3A_319] {strides = array<i32>} : memref<2x640xf32, #tpu.memory_space<vmem>>, vector<16xf32>,
      tpu.vector_store %arg10[%parallel_loop3A_318, %parallel_loop3A_319], %parallel_loop3A_316 {strides = array<i32>} : memref<2x640xf32, #tpu.memory_space<vmem>>, vector<16xf32>,
      %parallel_loop3A_321 = arith.constant -1.000000e+00 : f32
      %parallel_loop3A_322 = vector.broadcast %parallel_loop3A_321 : f32 to vector<16xf32>
      %parallel_loop3A_323 = arith.select %parallel_loop3A_313, %parallel_loop3A_48, %parallel_loop3A_322 : vector<16xi1>, vector<16xf32>
      %parallel_loop3A_324 = arith.constant 1 : i32
      %parallel_loop3A_325 = arith.index_cast %parallel_loop3A_324 : i32 to index
      %parallel_loop3A_326 = arith.index_cast %parallel_loop3A_40 : i32 to index
      %parallel_loop3A_327 = tpu.vector_load %arg10[%parallel_loop3A_325, %parallel_loop3A_326] {strides = array<i32>} : memref<2x640xf32, #tpu.memory_space<vmem>>, vector<16xf32>,
      tpu.vector_store %arg10[%parallel_loop3A_325, %parallel_loop3A_326], %parallel_loop3A_323 {strides = array<i32>} : memref<2x640xf32, #tpu.memory_space<vmem>>, vector<16xf32>,
      %parallel_loop3A_328 = arith.constant -1 : i32
      %parallel_loop3A_329 = vector.broadcast %parallel_loop3A_328 : i32 to vector<16xi32>
      %parallel_loop3A_330 = arith.select %parallel_loop3A_313, %parallel_loop3A_234, %parallel_loop3A_329 : vector<16xi1>, vector<16xi32>
      %parallel_loop3A_331 = arith.index_cast %parallel_loop3A_40 : i32 to index
      %parallel_loop3A_332 = tpu.vector_load %arg11[%parallel_loop3A_331] {strides = array<i32>} : memref<640xi32, #tpu.memory_space<vmem>>, vector<16xi32>,
      tpu.vector_store %arg11[%parallel_loop3A_331], %parallel_loop3A_330 {strides = array<i32>} : memref<640xi32, #tpu.memory_space<vmem>>, vector<16xi32>,
    } {sc.loop_unroll_factor = 1 : i64, sc.parallel_access}
    %dma_start3A_25 = arith.constant 0 : i32
    %dma_start3A_26 = tpu.memref_slice %arg5[%dma_start3A_25, %multiple_of3A] : memref<2x20000xf32, #tpu.memory_space<hbm>> -> memref<2x640xf32, #tpu.memory_space<hbm>>
    %dma_start3A_27 = arith.constant 0 : i32
    %dma_start3A_28 = tpu.memref_slice %arg5[%dma_start3A_27, %multiple_of3A] : memref<2x20000xf32, #tpu.memory_space<hbm>> -> memref<2x640xf32, #tpu.memory_space<hbm>>
    tpu.enqueue_dma source(%arg10 : memref<2x640xf32, #tpu.memory_space<vmem>>) target(%dma_start3A_28 : memref<2x640xf32, #tpu.memory_space<hbm>>) target_semaphore(%arg16 : memref<!tpu.dma_semaphore, #tpu.memory_space<semaphore_mem>>)
    %dma_start3A_29 = tpu.memref_slice %arg6[%multiple_of3A] : memref<20000xi32, #tpu.memory_space<hbm>> -> memref<640xi32, #tpu.memory_space<hbm>>
    %dma_start3A_30 = tpu.memref_slice %arg6[%multiple_of3A] : memref<20000xi32, #tpu.memory_space<hbm>> -> memref<640xi32, #tpu.memory_space<hbm>>
    tpu.enqueue_dma source(%arg11 : memref<640xi32, #tpu.memory_space<vmem>>) target(%dma_start3A_30 : memref<640xi32, #tpu.memory_space<hbm>>) target_semaphore(%arg17 : memref<!tpu.dma_semaphore, #tpu.memory_space<semaphore_mem>>)
    %dma_wait3A_31 = arith.constant 0 : i32
    %dma_wait3A_32 = tpu.memref_slice %arg5[%dma_wait3A_31, %multiple_of3A] : memref<2x20000xf32, #tpu.memory_space<hbm>> -> memref<2x640xf32, #tpu.memory_space<hbm>>
    %dma_wait3A_33 = arith.constant 0 : i32
    %dma_wait3A_34 = tpu.memref_slice %arg5[%dma_wait3A_33, %multiple_of3A] : memref<2x20000xf32, #tpu.memory_space<hbm>> -> memref<2x640xf32, #tpu.memory_space<hbm>>
    tpu.wait_dma2 semaphore(%arg16 : memref<!tpu.dma_semaphore, #tpu.memory_space<semaphore_mem>>) src(%arg10 : memref<2x640xf32, #tpu.memory_space<vmem>>) dst(%dma_wait3A_34 : memref<2x640xf32, #tpu.memory_space<hbm>>)
    %dma_wait3A_35 = tpu.memref_slice %arg6[%multiple_of3A] : memref<20000xi32, #tpu.memory_space<hbm>> -> memref<640xi32, #tpu.memory_space<hbm>>
    %dma_wait3A_36 = tpu.memref_slice %arg6[%multiple_of3A] : memref<20000xi32, #tpu.memory_space<hbm>> -> memref<640xi32, #tpu.memory_space<hbm>>
    tpu.wait_dma2 semaphore(%arg17 : memref<!tpu.dma_semaphore, #tpu.memory_space<semaphore_mem>>) src(%arg11 : memref<640xi32, #tpu.memory_space<vmem>>) dst(%dma_wait3A_36 : memref<640xi32, #tpu.memory_space<hbm>>)
    %convert_element_type3A = arith.extui %eq3A_1 : i1 to i32
    %cond3A = arith.constant 0 : i32
    %cond3A_37 = arith.cmpi ne, %convert_element_type3A, %cond3A : i32
    scf.if %cond3A_37 {
      %dma_start3A_38 = arith.constant 0 : i32
      %dma_start3A_39 = arith.constant 19968 : i32
      %dma_start3A_40 = tpu.memref_slice %arg3[%dma_start3A_38, %dma_start3A_39] : memref<21x20000xf32, #tpu.memory_space<hbm>> -> memref<21x32xf32, #tpu.memory_space<hbm>>
      %dma_start3A_41 = arith.constant 0 : i32
      %dma_start3A_42 = arith.constant 19968 : i32
      %dma_start3A_43 = tpu.memref_slice %arg3[%dma_start3A_41, %dma_start3A_42] : memref<21x20000xf32, #tpu.memory_space<hbm>> -> memref<21x32xf32, #tpu.memory_space<hbm>>
      tpu.enqueue_dma source(%dma_start3A_43 : memref<21x32xf32, #tpu.memory_space<hbm>>) target(%arg12 : memref<21x32xf32, #tpu.memory_space<vmem>>) target_semaphore(%arg16 : memref<!tpu.dma_semaphore, #tpu.memory_space<semaphore_mem>>)
      %dma_start3A_44 = arith.constant 0 : i32
      %dma_start3A_45 = arith.constant 19968 : i32
      %dma_start3A_46 = tpu.memref_slice %arg2[%dma_start3A_44, %dma_start3A_45] : memref<2x20000xf32, #tpu.memory_space<hbm>> -> memref<2x32xf32, #tpu.memory_space<hbm>>
      %dma_start3A_47 = arith.constant 0 : i32
      %dma_start3A_48 = arith.constant 19968 : i32
      %dma_start3A_49 = tpu.memref_slice %arg2[%dma_start3A_47, %dma_start3A_48] : memref<2x20000xf32, #tpu.memory_space<hbm>> -> memref<2x32xf32, #tpu.memory_space<hbm>>
      tpu.enqueue_dma source(%dma_start3A_49 : memref<2x32xf32, #tpu.memory_space<hbm>>) target(%arg13 : memref<2x32xf32, #tpu.memory_space<vmem>>) target_semaphore(%arg17 : memref<!tpu.dma_semaphore, #tpu.memory_space<semaphore_mem>>)
      %dma_wait3A_50 = arith.constant 0 : i32
      %dma_wait3A_51 = arith.constant 19968 : i32
      %dma_wait3A_52 = tpu.memref_slice %arg3[%dma_wait3A_50, %dma_wait3A_51] : memref<21x20000xf32, #tpu.memory_space<hbm>> -> memref<21x32xf32, #tpu.memory_space<hbm>>
      %dma_wait3A_53 = arith.constant 0 : i32
      %dma_wait3A_54 = arith.constant 19968 : i32
      %dma_wait3A_55 = tpu.memref_slice %arg3[%dma_wait3A_53, %dma_wait3A_54] : memref<21x20000xf32, #tpu.memory_space<hbm>> -> memref<21x32xf32, #tpu.memory_space<hbm>>
      tpu.wait_dma2 semaphore(%arg16 : memref<!tpu.dma_semaphore, #tpu.memory_space<semaphore_mem>>) src(%dma_wait3A_55 : memref<21x32xf32, #tpu.memory_space<hbm>>) dst(%arg12 : memref<21x32xf32, #tpu.memory_space<vmem>>)
      %dma_wait3A_56 = arith.constant 0 : i32
      %dma_wait3A_57 = arith.constant 19968 : i32
      %dma_wait3A_58 = tpu.memref_slice %arg2[%dma_wait3A_56, %dma_wait3A_57] : memref<2x20000xf32, #tpu.memory_space<hbm>> -> memref<2x32xf32, #tpu.memory_space<hbm>>
      %dma_wait3A_59 = arith.constant 0 : i32
      %dma_wait3A_60 = arith.constant 19968 : i32
      %dma_wait3A_61 = tpu.memref_slice %arg2[%dma_wait3A_59, %dma_wait3A_60] : memref<2x20000xf32, #tpu.memory_space<hbm>> -> memref<2x32xf32, #tpu.memory_space<hbm>>
      tpu.wait_dma2 semaphore(%arg17 : memref<!tpu.dma_semaphore, #tpu.memory_space<semaphore_mem>>) src(%dma_wait3A_61 : memref<2x32xf32, #tpu.memory_space<hbm>>) dst(%arg13 : memref<2x32xf32, #tpu.memory_space<vmem>>)
      %get3A = arith.constant 0 : i32
      %get3A_62 = arith.index_cast %get3A : i32 to index
      %get3A_63 = arith.constant 0 : index
      %get3A_64 = tpu.vector_load %arg13[%get3A_62, %get3A_63] {strides = array<i32>} : memref<2x32xf32, #tpu.memory_space<vmem>>, vector<16xf32>,
      %get3A_65 = arith.constant 1 : i32
      %get3A_66 = arith.index_cast %get3A_65 : i32 to index
      %get3A_67 = arith.constant 0 : index
      %get3A_68 = tpu.vector_load %arg13[%get3A_66, %get3A_67] {strides = array<i32>} : memref<2x32xf32, #tpu.memory_space<vmem>>, vector<16xf32>,
      %get3A_69 = arith.constant 0 : i32
      %get3A_70 = arith.index_cast %get3A_69 : i32 to index
      %get3A_71 = arith.constant 0 : index
      %get3A_72 = tpu.vector_load %arg12[%get3A_70, %get3A_71] {strides = array<i32>} : memref<21x32xf32, #tpu.memory_space<vmem>>, vector<16xf32>,
      %get3A_73 = arith.constant 1 : i32
      %get3A_74 = arith.index_cast %get3A_73 : i32 to index
      %get3A_75 = arith.constant 0 : index
      %get3A_76 = tpu.vector_load %arg12[%get3A_74, %get3A_75] {strides = array<i32>} : memref<21x32xf32, #tpu.memory_space<vmem>>, vector<16xf32>,
      %get3A_77 = arith.constant 2 : i32
      %get3A_78 = arith.index_cast %get3A_77 : i32 to index
      %get3A_79 = arith.constant 0 : index
      %get3A_80 = tpu.vector_load %arg12[%get3A_78, %get3A_79] {strides = array<i32>} : memref<21x32xf32, #tpu.memory_space<vmem>>, vector<16xf32>,
      %get3A_81 = arith.constant 3 : i32
      %get3A_82 = arith.index_cast %get3A_81 : i32 to index
      %get3A_83 = arith.constant 0 : index
      %get3A_84 = tpu.vector_load %arg12[%get3A_82, %get3A_83] {strides = array<i32>} : memref<21x32xf32, #tpu.memory_space<vmem>>, vector<16xf32>,
      %get3A_85 = arith.constant 4 : i32
      %get3A_86 = arith.index_cast %get3A_85 : i32 to index
      %get3A_87 = arith.constant 0 : index
      %get3A_88 = tpu.vector_load %arg12[%get3A_86, %get3A_87] {strides = array<i32>} : memref<21x32xf32, #tpu.memory_space<vmem>>, vector<16xf32>,
      %get3A_89 = arith.constant 5 : i32
      %get3A_90 = arith.index_cast %get3A_89 : i32 to index
      %get3A_91 = arith.constant 0 : index
      %get3A_92 = tpu.vector_load %arg12[%get3A_90, %get3A_91] {strides = array<i32>} : memref<21x32xf32, #tpu.memory_space<vmem>>, vector<16xf32>,
      %get3A_93 = arith.constant 6 : i32
      %get3A_94 = arith.index_cast %get3A_93 : i32 to index
      %get3A_95 = arith.constant 0 : index
      %get3A_96 = tpu.vector_load %arg12[%get3A_94, %get3A_95] {strides = array<i32>} : memref<21x32xf32, #tpu.memory_space<vmem>>, vector<16xf32>,
      %get3A_97 = arith.constant 7 : i32
      %get3A_98 = arith.index_cast %get3A_97 : i32 to index
      %get3A_99 = arith.constant 0 : index
      %get3A_100 = tpu.vector_load %arg12[%get3A_98, %get3A_99] {strides = array<i32>} : memref<21x32xf32, #tpu.memory_space<vmem>>, vector<16xf32>,
      %get3A_101 = arith.constant 8 : i32
      %get3A_102 = arith.index_cast %get3A_101 : i32 to index
      %get3A_103 = arith.constant 0 : index
      %get3A_104 = tpu.vector_load %arg12[%get3A_102, %get3A_103] {strides = array<i32>} : memref<21x32xf32, #tpu.memory_space<vmem>>, vector<16xf32>,
      %get3A_105 = arith.constant 9 : i32
      %get3A_106 = arith.index_cast %get3A_105 : i32 to index
      %get3A_107 = arith.constant 0 : index
      %get3A_108 = tpu.vector_load %arg12[%get3A_106, %get3A_107] {strides = array<i32>} : memref<21x32xf32, #tpu.memory_space<vmem>>, vector<16xf32>,
      %get3A_109 = arith.constant 10 : i32
      %get3A_110 = arith.index_cast %get3A_109 : i32 to index
      %get3A_111 = arith.constant 0 : index
      %get3A_112 = tpu.vector_load %arg12[%get3A_110, %get3A_111] {strides = array<i32>} : memref<21x32xf32, #tpu.memory_space<vmem>>, vector<16xf32>,
      %get3A_113 = arith.constant 11 : i32
      %get3A_114 = arith.index_cast %get3A_113 : i32 to index
      %get3A_115 = arith.constant 0 : index
      %get3A_116 = tpu.vector_load %arg12[%get3A_114, %get3A_115] {strides = array<i32>} : memref<21x32xf32, #tpu.memory_space<vmem>>, vector<16xf32>,
      %get3A_117 = arith.constant 12 : i32
      %get3A_118 = arith.index_cast %get3A_117 : i32 to index
      %get3A_119 = arith.constant 0 : index
      %get3A_120 = tpu.vector_load %arg12[%get3A_118, %get3A_119] {strides = array<i32>} : memref<21x32xf32, #tpu.memory_space<vmem>>, vector<16xf32>,
      %get3A_121 = arith.constant 13 : i32
      %get3A_122 = arith.index_cast %get3A_121 : i32 to index
      %get3A_123 = arith.constant 0 : index
      %get3A_124 = tpu.vector_load %arg12[%get3A_122, %get3A_123] {strides = array<i32>} : memref<21x32xf32, #tpu.memory_space<vmem>>, vector<16xf32>,
      %get3A_125 = arith.constant 14 : i32
      %get3A_126 = arith.index_cast %get3A_125 : i32 to index
      %get3A_127 = arith.constant 0 : index
      %get3A_128 = tpu.vector_load %arg12[%get3A_126, %get3A_127] {strides = array<i32>} : memref<21x32xf32, #tpu.memory_space<vmem>>, vector<16xf32>,
      %get3A_129 = arith.constant 15 : i32
      %get3A_130 = arith.index_cast %get3A_129 : i32 to index
      %get3A_131 = arith.constant 0 : index
      %get3A_132 = tpu.vector_load %arg12[%get3A_130, %get3A_131] {strides = array<i32>} : memref<21x32xf32, #tpu.memory_space<vmem>>, vector<16xf32>,
      %get3A_133 = arith.constant 16 : i32
      %get3A_134 = arith.index_cast %get3A_133 : i32 to index
      %get3A_135 = arith.constant 0 : index
      %get3A_136 = tpu.vector_load %arg12[%get3A_134, %get3A_135] {strides = array<i32>} : memref<21x32xf32, #tpu.memory_space<vmem>>, vector<16xf32>,
      %get3A_137 = arith.constant 17 : i32
      %get3A_138 = arith.index_cast %get3A_137 : i32 to index
      %get3A_139 = arith.constant 0 : index
      %get3A_140 = tpu.vector_load %arg12[%get3A_138, %get3A_139] {strides = array<i32>} : memref<21x32xf32, #tpu.memory_space<vmem>>, vector<16xf32>,
      %get3A_141 = arith.constant 18 : i32
      %get3A_142 = arith.index_cast %get3A_141 : i32 to index
      %get3A_143 = arith.constant 0 : index
      %get3A_144 = tpu.vector_load %arg12[%get3A_142, %get3A_143] {strides = array<i32>} : memref<21x32xf32, #tpu.memory_space<vmem>>, vector<16xf32>,
      %get3A_145 = arith.constant 19 : i32
      %get3A_146 = arith.index_cast %get3A_145 : i32 to index
      %get3A_147 = arith.constant 0 : index
      %get3A_148 = tpu.vector_load %arg12[%get3A_146, %get3A_147] {strides = array<i32>} : memref<21x32xf32, #tpu.memory_space<vmem>>, vector<16xf32>,
      %get3A_149 = arith.constant 20 : i32
      %get3A_150 = arith.index_cast %get3A_149 : i32 to index
      %get3A_151 = arith.constant 0 : index
      %get3A_152 = tpu.vector_load %arg12[%get3A_150, %get3A_151] {strides = array<i32>} : memref<21x32xf32, #tpu.memory_space<vmem>>, vector<16xf32>,
      %gt3A = arith.cmpf ogt, %get3A_76, %get3A_72 : vector<16xf32>
      %broadcast_in_dim3A_153 = arith.constant 0 : i32
      %broadcast_in_dim3A_154 = vector.broadcast %broadcast_in_dim3A_153 : i32 to vector<16xi32>
      %broadcast_in_dim3A_155 = arith.constant 1 : i32
      %broadcast_in_dim3A_156 = vector.broadcast %broadcast_in_dim3A_155 : i32 to vector<16xi32>
      %max3A = arith.maximumf %get3A_72, %get3A_76 : vector<16xf32>
      %select_n3A = arith.select %gt3A, %broadcast_in_dim3A_156, %broadcast_in_dim3A_154 : vector<16xi1>, vector<16xi32>
      %gt3A_157 = arith.cmpf ogt, %get3A_84, %get3A_80 : vector<16xf32>
      %broadcast_in_dim3A_158 = arith.constant 2 : i32
      %broadcast_in_dim3A_159 = vector.broadcast %broadcast_in_dim3A_158 : i32 to vector<16xi32>
      %broadcast_in_dim3A_160 = arith.constant 3 : i32
      %broadcast_in_dim3A_161 = vector.broadcast %broadcast_in_dim3A_160 : i32 to vector<16xi32>
      %max3A_162 = arith.maximumf %get3A_80, %get3A_84 : vector<16xf32>
      %select_n3A_163 = arith.select %gt3A_157, %broadcast_in_dim3A_161, %broadcast_in_dim3A_159 : vector<16xi1>, vector<16xi32>
      %gt3A_164 = arith.cmpf ogt, %get3A_92, %get3A_88 : vector<16xf32>
      %broadcast_in_dim3A_165 = arith.constant 4 : i32
      %broadcast_in_dim3A_166 = vector.broadcast %broadcast_in_dim3A_165 : i32 to vector<16xi32>
      %broadcast_in_dim3A_167 = arith.constant 5 : i32
      %broadcast_in_dim3A_168 = vector.broadcast %broadcast_in_dim3A_167 : i32 to vector<16xi32>
      %max3A_169 = arith.maximumf %get3A_88, %get3A_92 : vector<16xf32>
      %select_n3A_170 = arith.select %gt3A_164, %broadcast_in_dim3A_168, %broadcast_in_dim3A_166 : vector<16xi1>, vector<16xi32>
      %gt3A_171 = arith.cmpf ogt, %get3A_100, %get3A_96 : vector<16xf32>
      %broadcast_in_dim3A_172 = arith.constant 6 : i32
      %broadcast_in_dim3A_173 = vector.broadcast %broadcast_in_dim3A_172 : i32 to vector<16xi32>
      %broadcast_in_dim3A_174 = arith.constant 7 : i32
      %broadcast_in_dim3A_175 = vector.broadcast %broadcast_in_dim3A_174 : i32 to vector<16xi32>
      %max3A_176 = arith.maximumf %get3A_96, %get3A_100 : vector<16xf32>
      %select_n3A_177 = arith.select %gt3A_171, %broadcast_in_dim3A_175, %broadcast_in_dim3A_173 : vector<16xi1>, vector<16xi32>
      %gt3A_178 = arith.cmpf ogt, %get3A_108, %get3A_104 : vector<16xf32>
      %broadcast_in_dim3A_179 = arith.constant 8 : i32
      %broadcast_in_dim3A_180 = vector.broadcast %broadcast_in_dim3A_179 : i32 to vector<16xi32>
      %broadcast_in_dim3A_181 = arith.constant 9 : i32
      %broadcast_in_dim3A_182 = vector.broadcast %broadcast_in_dim3A_181 : i32 to vector<16xi32>
      %max3A_183 = arith.maximumf %get3A_104, %get3A_108 : vector<16xf32>
      %select_n3A_184 = arith.select %gt3A_178, %broadcast_in_dim3A_182, %broadcast_in_dim3A_180 : vector<16xi1>, vector<16xi32>
      %gt3A_185 = arith.cmpf ogt, %get3A_116, %get3A_112 : vector<16xf32>
      %broadcast_in_dim3A_186 = arith.constant 10 : i32
      %broadcast_in_dim3A_187 = vector.broadcast %broadcast_in_dim3A_186 : i32 to vector<16xi32>
      %broadcast_in_dim3A_188 = arith.constant 11 : i32
      %broadcast_in_dim3A_189 = vector.broadcast %broadcast_in_dim3A_188 : i32 to vector<16xi32>
      %max3A_190 = arith.maximumf %get3A_112, %get3A_116 : vector<16xf32>
      %select_n3A_191 = arith.select %gt3A_185, %broadcast_in_dim3A_189, %broadcast_in_dim3A_187 : vector<16xi1>, vector<16xi32>
      %gt3A_192 = arith.cmpf ogt, %get3A_124, %get3A_120 : vector<16xf32>
      %broadcast_in_dim3A_193 = arith.constant 12 : i32
      %broadcast_in_dim3A_194 = vector.broadcast %broadcast_in_dim3A_193 : i32 to vector<16xi32>
      %broadcast_in_dim3A_195 = arith.constant 13 : i32
      %broadcast_in_dim3A_196 = vector.broadcast %broadcast_in_dim3A_195 : i32 to vector<16xi32>
      %max3A_197 = arith.maximumf %get3A_120, %get3A_124 : vector<16xf32>
      %select_n3A_198 = arith.select %gt3A_192, %broadcast_in_dim3A_196, %broadcast_in_dim3A_194 : vector<16xi1>, vector<16xi32>
      %gt3A_199 = arith.cmpf ogt, %get3A_132, %get3A_128 : vector<16xf32>
      %broadcast_in_dim3A_200 = arith.constant 14 : i32
      %broadcast_in_dim3A_201 = vector.broadcast %broadcast_in_dim3A_200 : i32 to vector<16xi32>
      %broadcast_in_dim3A_202 = arith.constant 15 : i32
      %broadcast_in_dim3A_203 = vector.broadcast %broadcast_in_dim3A_202 : i32 to vector<16xi32>
      %max3A_204 = arith.maximumf %get3A_128, %get3A_132 : vector<16xf32>
      %select_n3A_205 = arith.select %gt3A_199, %broadcast_in_dim3A_203, %broadcast_in_dim3A_201 : vector<16xi1>, vector<16xi32>
      %gt3A_206 = arith.cmpf ogt, %get3A_140, %get3A_136 : vector<16xf32>
      %broadcast_in_dim3A_207 = arith.constant 16 : i32
      %broadcast_in_dim3A_208 = vector.broadcast %broadcast_in_dim3A_207 : i32 to vector<16xi32>
      %broadcast_in_dim3A_209 = arith.constant 17 : i32
      %broadcast_in_dim3A_210 = vector.broadcast %broadcast_in_dim3A_209 : i32 to vector<16xi32>
      %max3A_211 = arith.maximumf %get3A_136, %get3A_140 : vector<16xf32>
      %select_n3A_212 = arith.select %gt3A_206, %broadcast_in_dim3A_210, %broadcast_in_dim3A_208 : vector<16xi1>, vector<16xi32>
      %gt3A_213 = arith.cmpf ogt, %get3A_148, %get3A_144 : vector<16xf32>
      %broadcast_in_dim3A_214 = arith.constant 18 : i32
      %broadcast_in_dim3A_215 = vector.broadcast %broadcast_in_dim3A_214 : i32 to vector<16xi32>
      %broadcast_in_dim3A_216 = arith.constant 19 : i32
      %broadcast_in_dim3A_217 = vector.broadcast %broadcast_in_dim3A_216 : i32 to vector<16xi32>
      %max3A_218 = arith.maximumf %get3A_144, %get3A_148 : vector<16xf32>
      %select_n3A_219 = arith.select %gt3A_213, %broadcast_in_dim3A_217, %broadcast_in_dim3A_215 : vector<16xi1>, vector<16xi32>
      %gt3A_220 = arith.cmpf ogt, %max3A_162, %max3A : vector<16xf32>
      %max3A_221 = arith.maximumf %max3A, %max3A_162 : vector<16xf32>
      %select_n3A_222 = arith.select %gt3A_220, %select_n3A_163, %select_n3A : vector<16xi1>, vector<16xi32>
      %gt3A_223 = arith.cmpf ogt, %max3A_176, %max3A_169 : vector<16xf32>
      %max3A_224 = arith.maximumf %max3A_169, %max3A_176 : vector<16xf32>
      %select_n3A_225 = arith.select %gt3A_223, %select_n3A_177, %select_n3A_170 : vector<16xi1>, vector<16xi32>
      %gt3A_226 = arith.cmpf ogt, %max3A_190, %max3A_183 : vector<16xf32>
      %max3A_227 = arith.maximumf %max3A_183, %max3A_190 : vector<16xf32>
      %select_n3A_228 = arith.select %gt3A_226, %select_n3A_191, %select_n3A_184 : vector<16xi1>, vector<16xi32>
      %gt3A_229 = arith.cmpf ogt, %max3A_204, %max3A_197 : vector<16xf32>
      %max3A_230 = arith.maximumf %max3A_197, %max3A_204 : vector<16xf32>
      %select_n3A_231 = arith.select %gt3A_229, %select_n3A_205, %select_n3A_198 : vector<16xi1>, vector<16xi32>
      %gt3A_232 = arith.cmpf ogt, %max3A_218, %max3A_211 : vector<16xf32>
      %max3A_233 = arith.maximumf %max3A_211, %max3A_218 : vector<16xf32>
      %select_n3A_234 = arith.select %gt3A_232, %select_n3A_219, %select_n3A_212 : vector<16xi1>, vector<16xi32>
      %gt3A_235 = arith.cmpf ogt, %max3A_224, %max3A_221 : vector<16xf32>
      %max3A_236 = arith.maximumf %max3A_221, %max3A_224 : vector<16xf32>
      %select_n3A_237 = arith.select %gt3A_235, %select_n3A_225, %select_n3A_222 : vector<16xi1>, vector<16xi32>
      %gt3A_238 = arith.cmpf ogt, %max3A_230, %max3A_227 : vector<16xf32>
      %max3A_239 = arith.maximumf %max3A_227, %max3A_230 : vector<16xf32>
      %select_n3A_240 = arith.select %gt3A_238, %select_n3A_231, %select_n3A_228 : vector<16xi1>, vector<16xi32>
      %gt3A_241 = arith.cmpf ogt, %get3A_152, %max3A_233 : vector<16xf32>
      %broadcast_in_dim3A_242 = arith.constant 20 : i32
      %broadcast_in_dim3A_243 = vector.broadcast %broadcast_in_dim3A_242 : i32 to vector<16xi32>
      %max3A_244 = arith.maximumf %max3A_233, %get3A_152 : vector<16xf32>
      %select_n3A_245 = arith.select %gt3A_241, %broadcast_in_dim3A_243, %select_n3A_234 : vector<16xi1>, vector<16xi32>
      %gt3A_246 = arith.cmpf ogt, %max3A_239, %max3A_236 : vector<16xf32>
      %max3A_247 = arith.maximumf %max3A_236, %max3A_239 : vector<16xf32>
      %select_n3A_248 = arith.select %gt3A_246, %select_n3A_240, %select_n3A_237 : vector<16xi1>, vector<16xi32>
      %gt3A_249 = arith.cmpf ogt, %max3A_244, %max3A_247 : vector<16xf32>
      %max3A_250 = arith.maximumf %max3A_247, %max3A_244 : vector<16xf32>
      %select_n3A_251 = arith.select %gt3A_249, %select_n3A_245, %select_n3A_248 : vector<16xi1>, vector<16xi32>
      %sub3A = arith.subf %get3A_72, %max3A_250 : vector<16xf32>
      %exp3A = math.exp %sub3A : vector<16xf32>
      %sub3A_252 = arith.subf %get3A_76, %max3A_250 : vector<16xf32>
      %exp3A_253 = math.exp %sub3A_252 : vector<16xf32>
      %sub3A_254 = arith.subf %get3A_80, %max3A_250 : vector<16xf32>
      %exp3A_255 = math.exp %sub3A_254 : vector<16xf32>
      %sub3A_256 = arith.subf %get3A_84, %max3A_250 : vector<16xf32>
      %exp3A_257 = math.exp %sub3A_256 : vector<16xf32>
      %sub3A_258 = arith.subf %get3A_88, %max3A_250 : vector<16xf32>
      %exp3A_259 = math.exp %sub3A_258 : vector<16xf32>
      %sub3A_260 = arith.subf %get3A_92, %max3A_250 : vector<16xf32>
      %exp3A_261 = math.exp %sub3A_260 : vector<16xf32>
      %sub3A_262 = arith.subf %get3A_96, %max3A_250 : vector<16xf32>
      %exp3A_263 = math.exp %sub3A_262 : vector<16xf32>
      %sub3A_264 = arith.subf %get3A_100, %max3A_250 : vector<16xf32>
      %exp3A_265 = math.exp %sub3A_264 : vector<16xf32>
      %sub3A_266 = arith.subf %get3A_104, %max3A_250 : vector<16xf32>
      %exp3A_267 = math.exp %sub3A_266 : vector<16xf32>
      %sub3A_268 = arith.subf %get3A_108, %max3A_250 : vector<16xf32>
      %exp3A_269 = math.exp %sub3A_268 : vector<16xf32>
      %sub3A_270 = arith.subf %get3A_112, %max3A_250 : vector<16xf32>
      %exp3A_271 = math.exp %sub3A_270 : vector<16xf32>
      %sub3A_272 = arith.subf %get3A_116, %max3A_250 : vector<16xf32>
      %exp3A_273 = math.exp %sub3A_272 : vector<16xf32>
      %sub3A_274 = arith.subf %get3A_120, %max3A_250 : vector<16xf32>
      %exp3A_275 = math.exp %sub3A_274 : vector<16xf32>
      %sub3A_276 = arith.subf %get3A_124, %max3A_250 : vector<16xf32>
      %exp3A_277 = math.exp %sub3A_276 : vector<16xf32>
      %sub3A_278 = arith.subf %get3A_128, %max3A_250 : vector<16xf32>
      %exp3A_279 = math.exp %sub3A_278 : vector<16xf32>
      %sub3A_280 = arith.subf %get3A_132, %max3A_250 : vector<16xf32>
      %exp3A_281 = math.exp %sub3A_280 : vector<16xf32>
      %sub3A_282 = arith.subf %get3A_136, %max3A_250 : vector<16xf32>
      %exp3A_283 = math.exp %sub3A_282 : vector<16xf32>
      %sub3A_284 = arith.subf %get3A_140, %max3A_250 : vector<16xf32>
      %exp3A_285 = math.exp %sub3A_284 : vector<16xf32>
      %sub3A_286 = arith.subf %get3A_144, %max3A_250 : vector<16xf32>
      %exp3A_287 = math.exp %sub3A_286 : vector<16xf32>
      %sub3A_288 = arith.subf %get3A_148, %max3A_250 : vector<16xf32>
      %exp3A_289 = math.exp %sub3A_288 : vector<16xf32>
      %sub3A_290 = arith.subf %get3A_152, %max3A_250 : vector<16xf32>
      %exp3A_291 = math.exp %sub3A_290 : vector<16xf32>
      %add3A_292 = arith.addf %exp3A, %exp3A_253 : vector<16xf32>
      %add3A_293 = arith.addf %exp3A_255, %exp3A_257 : vector<16xf32>
      %add3A_294 = arith.addf %exp3A_259, %exp3A_261 : vector<16xf32>
      %add3A_295 = arith.addf %exp3A_263, %exp3A_265 : vector<16xf32>
      %add3A_296 = arith.addf %exp3A_267, %exp3A_269 : vector<16xf32>
      %add3A_297 = arith.addf %exp3A_271, %exp3A_273 : vector<16xf32>
      %add3A_298 = arith.addf %exp3A_275, %exp3A_277 : vector<16xf32>
      %add3A_299 = arith.addf %exp3A_279, %exp3A_281 : vector<16xf32>
      %add3A_300 = arith.addf %exp3A_283, %exp3A_285 : vector<16xf32>
      %add3A_301 = arith.addf %exp3A_287, %exp3A_289 : vector<16xf32>
      %add3A_302 = arith.addf %add3A_292, %add3A_293 : vector<16xf32>
      %add3A_303 = arith.addf %add3A_294, %add3A_295 : vector<16xf32>
      %add3A_304 = arith.addf %add3A_296, %add3A_297 : vector<16xf32>
      %add3A_305 = arith.addf %add3A_298, %add3A_299 : vector<16xf32>
      %add3A_306 = arith.addf %add3A_300, %add3A_301 : vector<16xf32>
      %add3A_307 = arith.addf %add3A_302, %add3A_303 : vector<16xf32>
      %add3A_308 = arith.addf %add3A_304, %add3A_305 : vector<16xf32>
      %add3A_309 = arith.addf %add3A_306, %exp3A_291 : vector<16xf32>
      %add3A_310 = arith.addf %add3A_307, %add3A_308 : vector<16xf32>
      %add3A_311 = arith.addf %add3A_310, %add3A_309 : vector<16xf32>
      %div3A = arith.constant 1.000000e+00 : f32
      %div3A_312 = vector.broadcast %div3A : f32 to vector<16xf32>
      %div3A_313 = arith.divf %div3A_312, %add3A_311 : vector<16xf32>
      %gather3A_314 = tpu.vector_load_idx %arg9[%select_n3A_251] : memref<23xf32, #tpu.memory_space<vmem>>[vector<16xi32>], vector<16xf32>,
      %ge3A = arith.constant 0.000000e+00 : f32
      %ge3A_315 = vector.broadcast %ge3A : f32 to vector<16xf32>
      %ge3A_316 = arith.cmpf oge, %get3A_64, %ge3A_315 : vector<16xf32>
      %lt3A = arith.cmpf olt, %get3A_64, %gather3A : vector<16xf32>
      %and3A_317 = arith.andi %ge3A_316, %lt3A : vector<16xi1>
      %ge3A_318 = arith.constant 0.000000e+00 : f32
      %ge3A_319 = vector.broadcast %ge3A_318 : f32 to vector<16xf32>
      %ge3A_320 = arith.cmpf oge, %get3A_68, %ge3A_319 : vector<16xf32>
      %and3A_321 = arith.andi %and3A_317, %ge3A_320 : vector<16xi1>
      %lt3A_322 = arith.cmpf olt, %get3A_68, %gather3A_22 : vector<16xf32>
      %and3A_323 = arith.andi %and3A_321, %lt3A_322 : vector<16xi1>
      %ge3A_324 = arith.cmpf oge, %div3A_313, %gather3A_314 : vector<16xf32>
      %and3A_325 = arith.andi %and3A_323, %ge3A_324 : vector<16xi1>
      %jit3A = arith.constant -1.000000e+00 : f32
      %broadcast_in_dim3A_326 = vector.broadcast %jit3A : f32 to vector<16xf32>
      %select_n3A_327 = arith.select %and3A_325, %get3A_64, %broadcast_in_dim3A_326 : vector<16xi1>, vector<16xf32>
      %swap3A = arith.constant 0 : i32
      %swap3A_328 = arith.index_cast %swap3A : i32 to index
      %swap3A_329 = arith.constant 0 : index
      %swap3A_330 = tpu.vector_load %arg14[%swap3A_328, %swap3A_329] {strides = array<i32>} : memref<2x32xf32, #tpu.memory_space<vmem>>, vector<16xf32>,
      tpu.vector_store %arg14[%swap3A_328, %swap3A_329], %select_n3A_327 {strides = array<i32>} : memref<2x32xf32, #tpu.memory_space<vmem>>, vector<16xf32>,
      %jit3A_331 = arith.constant -1.000000e+00 : f32
      %broadcast_in_dim3A_332 = vector.broadcast %jit3A_331 : f32 to vector<16xf32>
      %select_n3A_333 = arith.select %and3A_325, %get3A_68, %broadcast_in_dim3A_332 : vector<16xi1>, vector<16xf32>
      %swap3A_334 = arith.constant 1 : i32
      %swap3A_335 = arith.index_cast %swap3A_334 : i32 to index
      %swap3A_336 = arith.constant 0 : index
      %swap3A_337 = tpu.vector_load %arg14[%swap3A_335, %swap3A_336] {strides = array<i32>} : memref<2x32xf32, #tpu.memory_space<vmem>>, vector<16xf32>,
      tpu.vector_store %arg14[%swap3A_335, %swap3A_336], %select_n3A_333 {strides = array<i32>} : memref<2x32xf32, #tpu.memory_space<vmem>>, vector<16xf32>,
      %jit3A_338 = arith.constant -1 : i32
      %broadcast_in_dim3A_339 = vector.broadcast %jit3A_338 : i32 to vector<16xi32>
      %select_n3A_340 = arith.select %and3A_325, %select_n3A_251, %broadcast_in_dim3A_339 : vector<16xi1>, vector<16xi32>
      %swap3A_341 = arith.constant 0 : index
      %swap3A_342 = tpu.vector_load %arg15[%swap3A_341] {strides = array<i32>} : memref<32xi32, #tpu.memory_space<vmem>>, vector<16xi32>,
      tpu.vector_store %arg15[%swap3A_341], %select_n3A_340 {strides = array<i32>} : memref<32xi32, #tpu.memory_space<vmem>>, vector<16xi32>,
      %get3A_343 = arith.constant 0 : i32
      %get3A_344 = arith.index_cast %get3A_343 : i32 to index
      %get3A_345 = arith.constant 16 : index
      %get3A_346 = tpu.vector_load %arg13[%get3A_344, %get3A_345] {strides = array<i32>} : memref<2x32xf32, #tpu.memory_space<vmem>>, vector<16xf32>,
      %get3A_347 = arith.constant 1 : i32
      %get3A_348 = arith.index_cast %get3A_347 : i32 to index
      %get3A_349 = arith.constant 16 : index
      %get3A_350 = tpu.vector_load %arg13[%get3A_348, %get3A_349] {strides = array<i32>} : memref<2x32xf32, #tpu.memory_space<vmem>>, vector<16xf32>,
      %get3A_351 = arith.constant 0 : i32
      %get3A_352 = arith.index_cast %get3A_351 : i32 to index
      %get3A_353 = arith.constant 16 : index
      %get3A_354 = tpu.vector_load %arg12[%get3A_352, %get3A_353] {strides = array<i32>} : memref<21x32xf32, #tpu.memory_space<vmem>>, vector<16xf32>,
      %get3A_355 = arith.constant 1 : i32
      %get3A_356 = arith.index_cast %get3A_355 : i32 to index
      %get3A_357 = arith.constant 16 : index
      %get3A_358 = tpu.vector_load %arg12[%get3A_356, %get3A_357] {strides = array<i32>} : memref<21x32xf32, #tpu.memory_space<vmem>>, vector<16xf32>,
      %get3A_359 = arith.constant 2 : i32
      %get3A_360 = arith.index_cast %get3A_359 : i32 to index
      %get3A_361 = arith.constant 16 : index
      %get3A_362 = tpu.vector_load %arg12[%get3A_360, %get3A_361] {strides = array<i32>} : memref<21x32xf32, #tpu.memory_space<vmem>>, vector<16xf32>,
      %get3A_363 = arith.constant 3 : i32
      %get3A_364 = arith.index_cast %get3A_363 : i32 to index
      %get3A_365 = arith.constant 16 : index
      %get3A_366 = tpu.vector_load %arg12[%get3A_364, %get3A_365] {strides = array<i32>} : memref<21x32xf32, #tpu.memory_space<vmem>>, vector<16xf32>,
      %get3A_367 = arith.constant 4 : i32
      %get3A_368 = arith.index_cast %get3A_367 : i32 to index
      %get3A_369 = arith.constant 16 : index
      %get3A_370 = tpu.vector_load %arg12[%get3A_368, %get3A_369] {strides = array<i32>} : memref<21x32xf32, #tpu.memory_space<vmem>>, vector<16xf32>,
      %get3A_371 = arith.constant 5 : i32
      %get3A_372 = arith.index_cast %get3A_371 : i32 to index
      %get3A_373 = arith.constant 16 : index
      %get3A_374 = tpu.vector_load %arg12[%get3A_372, %get3A_373] {strides = array<i32>} : memref<21x32xf32, #tpu.memory_space<vmem>>, vector<16xf32>,
      %get3A_375 = arith.constant 6 : i32
      %get3A_376 = arith.index_cast %get3A_375 : i32 to index
      %get3A_377 = arith.constant 16 : index
      %get3A_378 = tpu.vector_load %arg12[%get3A_376, %get3A_377] {strides = array<i32>} : memref<21x32xf32, #tpu.memory_space<vmem>>, vector<16xf32>,
      %get3A_379 = arith.constant 7 : i32
      %get3A_380 = arith.index_cast %get3A_379 : i32 to index
      %get3A_381 = arith.constant 16 : index
      %get3A_382 = tpu.vector_load %arg12[%get3A_380, %get3A_381] {strides = array<i32>} : memref<21x32xf32, #tpu.memory_space<vmem>>, vector<16xf32>,
      %get3A_383 = arith.constant 8 : i32
      %get3A_384 = arith.index_cast %get3A_383 : i32 to index
      %get3A_385 = arith.constant 16 : index
      %get3A_386 = tpu.vector_load %arg12[%get3A_384, %get3A_385] {strides = array<i32>} : memref<21x32xf32, #tpu.memory_space<vmem>>, vector<16xf32>,
      %get3A_387 = arith.constant 9 : i32
      %get3A_388 = arith.index_cast %get3A_387 : i32 to index
      %get3A_389 = arith.constant 16 : index
      %get3A_390 = tpu.vector_load %arg12[%get3A_388, %get3A_389] {strides = array<i32>} : memref<21x32xf32, #tpu.memory_space<vmem>>, vector<16xf32>,
      %get3A_391 = arith.constant 10 : i32
      %get3A_392 = arith.index_cast %get3A_391 : i32 to index
      %get3A_393 = arith.constant 16 : index
      %get3A_394 = tpu.vector_load %arg12[%get3A_392, %get3A_393] {strides = array<i32>} : memref<21x32xf32, #tpu.memory_space<vmem>>, vector<16xf32>,
      %get3A_395 = arith.constant 11 : i32
      %get3A_396 = arith.index_cast %get3A_395 : i32 to index
      %get3A_397 = arith.constant 16 : index
      %get3A_398 = tpu.vector_load %arg12[%get3A_396, %get3A_397] {strides = array<i32>} : memref<21x32xf32, #tpu.memory_space<vmem>>, vector<16xf32>,
      %get3A_399 = arith.constant 12 : i32
      %get3A_400 = arith.index_cast %get3A_399 : i32 to index
      %get3A_401 = arith.constant 16 : index
      %get3A_402 = tpu.vector_load %arg12[%get3A_400, %get3A_401] {strides = array<i32>} : memref<21x32xf32, #tpu.memory_space<vmem>>, vector<16xf32>,
      %get3A_403 = arith.constant 13 : i32
      %get3A_404 = arith.index_cast %get3A_403 : i32 to index
      %get3A_405 = arith.constant 16 : index
      %get3A_406 = tpu.vector_load %arg12[%get3A_404, %get3A_405] {strides = array<i32>} : memref<21x32xf32, #tpu.memory_space<vmem>>, vector<16xf32>,
      %get3A_407 = arith.constant 14 : i32
      %get3A_408 = arith.index_cast %get3A_407 : i32 to index
      %get3A_409 = arith.constant 16 : index
      %get3A_410 = tpu.vector_load %arg12[%get3A_408, %get3A_409] {strides = array<i32>} : memref<21x32xf32, #tpu.memory_space<vmem>>, vector<16xf32>,
      %get3A_411 = arith.constant 15 : i32
      %get3A_412 = arith.index_cast %get3A_411 : i32 to index
      %get3A_413 = arith.constant 16 : index
      %get3A_414 = tpu.vector_load %arg12[%get3A_412, %get3A_413] {strides = array<i32>} : memref<21x32xf32, #tpu.memory_space<vmem>>, vector<16xf32>,
      %get3A_415 = arith.constant 16 : i32
      %get3A_416 = arith.index_cast %get3A_415 : i32 to index
      %get3A_417 = arith.constant 16 : index
      %get3A_418 = tpu.vector_load %arg12[%get3A_416, %get3A_417] {strides = array<i32>} : memref<21x32xf32, #tpu.memory_space<vmem>>, vector<16xf32>,
      %get3A_419 = arith.constant 17 : i32
      %get3A_420 = arith.index_cast %get3A_419 : i32 to index
      %get3A_421 = arith.constant 16 : index
      %get3A_422 = tpu.vector_load %arg12[%get3A_420, %get3A_421] {strides = array<i32>} : memref<21x32xf32, #tpu.memory_space<vmem>>, vector<16xf32>,
      %get3A_423 = arith.constant 18 : i32
      %get3A_424 = arith.index_cast %get3A_423 : i32 to index
      %get3A_425 = arith.constant 16 : index
      %get3A_426 = tpu.vector_load %arg12[%get3A_424, %get3A_425] {strides = array<i32>} : memref<21x32xf32, #tpu.memory_space<vmem>>, vector<16xf32>,
      %get3A_427 = arith.constant 19 : i32
      %get3A_428 = arith.index_cast %get3A_427 : i32 to index
      %get3A_429 = arith.constant 16 : index
      %get3A_430 = tpu.vector_load %arg12[%get3A_428, %get3A_429] {strides = array<i32>} : memref<21x32xf32, #tpu.memory_space<vmem>>, vector<16xf32>,
      %get3A_431 = arith.constant 20 : i32
      %get3A_432 = arith.index_cast %get3A_431 : i32 to index
      %get3A_433 = arith.constant 16 : index
      %get3A_434 = tpu.vector_load %arg12[%get3A_432, %get3A_433] {strides = array<i32>} : memref<21x32xf32, #tpu.memory_space<vmem>>, vector<16xf32>,
      %gt3A_435 = arith.cmpf ogt, %get3A_358, %get3A_354 : vector<16xf32>
      %broadcast_in_dim3A_436 = arith.constant 0 : i32
      %broadcast_in_dim3A_437 = vector.broadcast %broadcast_in_dim3A_436 : i32 to vector<16xi32>
      %broadcast_in_dim3A_438 = arith.constant 1 : i32
      %broadcast_in_dim3A_439 = vector.broadcast %broadcast_in_dim3A_438 : i32 to vector<16xi32>
      %max3A_440 = arith.maximumf %get3A_354, %get3A_358 : vector<16xf32>
      %select_n3A_441 = arith.select %gt3A_435, %broadcast_in_dim3A_439, %broadcast_in_dim3A_437 : vector<16xi1>, vector<16xi32>
      %gt3A_442 = arith.cmpf ogt, %get3A_366, %get3A_362 : vector<16xf32>
      %broadcast_in_dim3A_443 = arith.constant 2 : i32
      %broadcast_in_dim3A_444 = vector.broadcast %broadcast_in_dim3A_443 : i32 to vector<16xi32>
      %broadcast_in_dim3A_445 = arith.constant 3 : i32
      %broadcast_in_dim3A_446 = vector.broadcast %broadcast_in_dim3A_445 : i32 to vector<16xi32>
      %max3A_447 = arith.maximumf %get3A_362, %get3A_366 : vector<16xf32>
      %select_n3A_448 = arith.select %gt3A_442, %broadcast_in_dim3A_446, %broadcast_in_dim3A_444 : vector<16xi1>, vector<16xi32>
      %gt3A_449 = arith.cmpf ogt, %get3A_374, %get3A_370 : vector<16xf32>
      %broadcast_in_dim3A_450 = arith.constant 4 : i32
      %broadcast_in_dim3A_451 = vector.broadcast %broadcast_in_dim3A_450 : i32 to vector<16xi32>
      %broadcast_in_dim3A_452 = arith.constant 5 : i32
      %broadcast_in_dim3A_453 = vector.broadcast %broadcast_in_dim3A_452 : i32 to vector<16xi32>
      %max3A_454 = arith.maximumf %get3A_370, %get3A_374 : vector<16xf32>
      %select_n3A_455 = arith.select %gt3A_449, %broadcast_in_dim3A_453, %broadcast_in_dim3A_451 : vector<16xi1>, vector<16xi32>
      %gt3A_456 = arith.cmpf ogt, %get3A_382, %get3A_378 : vector<16xf32>
      %broadcast_in_dim3A_457 = arith.constant 6 : i32
      %broadcast_in_dim3A_458 = vector.broadcast %broadcast_in_dim3A_457 : i32 to vector<16xi32>
      %broadcast_in_dim3A_459 = arith.constant 7 : i32
      %broadcast_in_dim3A_460 = vector.broadcast %broadcast_in_dim3A_459 : i32 to vector<16xi32>
      %max3A_461 = arith.maximumf %get3A_378, %get3A_382 : vector<16xf32>
      %select_n3A_462 = arith.select %gt3A_456, %broadcast_in_dim3A_460, %broadcast_in_dim3A_458 : vector<16xi1>, vector<16xi32>
      %gt3A_463 = arith.cmpf ogt, %get3A_390, %get3A_386 : vector<16xf32>
      %broadcast_in_dim3A_464 = arith.constant 8 : i32
      %broadcast_in_dim3A_465 = vector.broadcast %broadcast_in_dim3A_464 : i32 to vector<16xi32>
      %broadcast_in_dim3A_466 = arith.constant 9 : i32
      %broadcast_in_dim3A_467 = vector.broadcast %broadcast_in_dim3A_466 : i32 to vector<16xi32>
      %max3A_468 = arith.maximumf %get3A_386, %get3A_390 : vector<16xf32>
      %select_n3A_469 = arith.select %gt3A_463, %broadcast_in_dim3A_467, %broadcast_in_dim3A_465 : vector<16xi1>, vector<16xi32>
      %gt3A_470 = arith.cmpf ogt, %get3A_398, %get3A_394 : vector<16xf32>
      %broadcast_in_dim3A_471 = arith.constant 10 : i32
      %broadcast_in_dim3A_472 = vector.broadcast %broadcast_in_dim3A_471 : i32 to vector<16xi32>
      %broadcast_in_dim3A_473 = arith.constant 11 : i32
      %broadcast_in_dim3A_474 = vector.broadcast %broadcast_in_dim3A_473 : i32 to vector<16xi32>
      %max3A_475 = arith.maximumf %get3A_394, %get3A_398 : vector<16xf32>
      %select_n3A_476 = arith.select %gt3A_470, %broadcast_in_dim3A_474, %broadcast_in_dim3A_472 : vector<16xi1>, vector<16xi32>
      %gt3A_477 = arith.cmpf ogt, %get3A_406, %get3A_402 : vector<16xf32>
      %broadcast_in_dim3A_478 = arith.constant 12 : i32
      %broadcast_in_dim3A_479 = vector.broadcast %broadcast_in_dim3A_478 : i32 to vector<16xi32>
      %broadcast_in_dim3A_480 = arith.constant 13 : i32
      %broadcast_in_dim3A_481 = vector.broadcast %broadcast_in_dim3A_480 : i32 to vector<16xi32>
      %max3A_482 = arith.maximumf %get3A_402, %get3A_406 : vector<16xf32>
      %select_n3A_483 = arith.select %gt3A_477, %broadcast_in_dim3A_481, %broadcast_in_dim3A_479 : vector<16xi1>, vector<16xi32>
      %gt3A_484 = arith.cmpf ogt, %get3A_414, %get3A_410 : vector<16xf32>
      %broadcast_in_dim3A_485 = arith.constant 14 : i32
      %broadcast_in_dim3A_486 = vector.broadcast %broadcast_in_dim3A_485 : i32 to vector<16xi32>
      %broadcast_in_dim3A_487 = arith.constant 15 : i32
      %broadcast_in_dim3A_488 = vector.broadcast %broadcast_in_dim3A_487 : i32 to vector<16xi32>
      %max3A_489 = arith.maximumf %get3A_410, %get3A_414 : vector<16xf32>
      %select_n3A_490 = arith.select %gt3A_484, %broadcast_in_dim3A_488, %broadcast_in_dim3A_486 : vector<16xi1>, vector<16xi32>
      %gt3A_491 = arith.cmpf ogt, %get3A_422, %get3A_418 : vector<16xf32>
      %broadcast_in_dim3A_492 = arith.constant 16 : i32
      %broadcast_in_dim3A_493 = vector.broadcast %broadcast_in_dim3A_492 : i32 to vector<16xi32>
      %broadcast_in_dim3A_494 = arith.constant 17 : i32
      %broadcast_in_dim3A_495 = vector.broadcast %broadcast_in_dim3A_494 : i32 to vector<16xi32>
      %max3A_496 = arith.maximumf %get3A_418, %get3A_422 : vector<16xf32>
      %select_n3A_497 = arith.select %gt3A_491, %broadcast_in_dim3A_495, %broadcast_in_dim3A_493 : vector<16xi1>, vector<16xi32>
      %gt3A_498 = arith.cmpf ogt, %get3A_430, %get3A_426 : vector<16xf32>
      %broadcast_in_dim3A_499 = arith.constant 18 : i32
      %broadcast_in_dim3A_500 = vector.broadcast %broadcast_in_dim3A_499 : i32 to vector<16xi32>
      %broadcast_in_dim3A_501 = arith.constant 19 : i32
      %broadcast_in_dim3A_502 = vector.broadcast %broadcast_in_dim3A_501 : i32 to vector<16xi32>
      %max3A_503 = arith.maximumf %get3A_426, %get3A_430 : vector<16xf32>
      %select_n3A_504 = arith.select %gt3A_498, %broadcast_in_dim3A_502, %broadcast_in_dim3A_500 : vector<16xi1>, vector<16xi32>
      %gt3A_505 = arith.cmpf ogt, %max3A_447, %max3A_440 : vector<16xf32>
      %max3A_506 = arith.maximumf %max3A_440, %max3A_447 : vector<16xf32>
      %select_n3A_507 = arith.select %gt3A_505, %select_n3A_448, %select_n3A_441 : vector<16xi1>, vector<16xi32>
      %gt3A_508 = arith.cmpf ogt, %max3A_461, %max3A_454 : vector<16xf32>
      %max3A_509 = arith.maximumf %max3A_454, %max3A_461 : vector<16xf32>
      %select_n3A_510 = arith.select %gt3A_508, %select_n3A_462, %select_n3A_455 : vector<16xi1>, vector<16xi32>
      %gt3A_511 = arith.cmpf ogt, %max3A_475, %max3A_468 : vector<16xf32>
      %max3A_512 = arith.maximumf %max3A_468, %max3A_475 : vector<16xf32>
      %select_n3A_513 = arith.select %gt3A_511, %select_n3A_476, %select_n3A_469 : vector<16xi1>, vector<16xi32>
      %gt3A_514 = arith.cmpf ogt, %max3A_489, %max3A_482 : vector<16xf32>
      %max3A_515 = arith.maximumf %max3A_482, %max3A_489 : vector<16xf32>
      %select_n3A_516 = arith.select %gt3A_514, %select_n3A_490, %select_n3A_483 : vector<16xi1>, vector<16xi32>
      %gt3A_517 = arith.cmpf ogt, %max3A_503, %max3A_496 : vector<16xf32>
      %max3A_518 = arith.maximumf %max3A_496, %max3A_503 : vector<16xf32>
      %select_n3A_519 = arith.select %gt3A_517, %select_n3A_504, %select_n3A_497 : vector<16xi1>, vector<16xi32>
      %gt3A_520 = arith.cmpf ogt, %max3A_509, %max3A_506 : vector<16xf32>
      %max3A_521 = arith.maximumf %max3A_506, %max3A_509 : vector<16xf32>
      %select_n3A_522 = arith.select %gt3A_520, %select_n3A_510, %select_n3A_507 : vector<16xi1>, vector<16xi32>
      %gt3A_523 = arith.cmpf ogt, %max3A_515, %max3A_512 : vector<16xf32>
      %max3A_524 = arith.maximumf %max3A_512, %max3A_515 : vector<16xf32>
      %select_n3A_525 = arith.select %gt3A_523, %select_n3A_516, %select_n3A_513 : vector<16xi1>, vector<16xi32>
      %gt3A_526 = arith.cmpf ogt, %get3A_434, %max3A_518 : vector<16xf32>
      %broadcast_in_dim3A_527 = arith.constant 20 : i32
      %broadcast_in_dim3A_528 = vector.broadcast %broadcast_in_dim3A_527 : i32 to vector<16xi32>
      %max3A_529 = arith.maximumf %max3A_518, %get3A_434 : vector<16xf32>
      %select_n3A_530 = arith.select %gt3A_526, %broadcast_in_dim3A_528, %select_n3A_519 : vector<16xi1>, vector<16xi32>
      %gt3A_531 = arith.cmpf ogt, %max3A_524, %max3A_521 : vector<16xf32>
      %max3A_532 = arith.maximumf %max3A_521, %max3A_524 : vector<16xf32>
      %select_n3A_533 = arith.select %gt3A_531, %select_n3A_525, %select_n3A_522 : vector<16xi1>, vector<16xi32>
      %gt3A_534 = arith.cmpf ogt, %max3A_529, %max3A_532 : vector<16xf32>
      %max3A_535 = arith.maximumf %max3A_532, %max3A_529 : vector<16xf32>
      %select_n3A_536 = arith.select %gt3A_534, %select_n3A_530, %select_n3A_533 : vector<16xi1>, vector<16xi32>
      %sub3A_537 = arith.subf %get3A_354, %max3A_535 : vector<16xf32>
      %exp3A_538 = math.exp %sub3A_537 : vector<16xf32>
      %sub3A_539 = arith.subf %get3A_358, %max3A_535 : vector<16xf32>
      %exp3A_540 = math.exp %sub3A_539 : vector<16xf32>
      %sub3A_541 = arith.subf %get3A_362, %max3A_535 : vector<16xf32>
      %exp3A_542 = math.exp %sub3A_541 : vector<16xf32>
      %sub3A_543 = arith.subf %get3A_366, %max3A_535 : vector<16xf32>
      %exp3A_544 = math.exp %sub3A_543 : vector<16xf32>
      %sub3A_545 = arith.subf %get3A_370, %max3A_535 : vector<16xf32>
      %exp3A_546 = math.exp %sub3A_545 : vector<16xf32>
      %sub3A_547 = arith.subf %get3A_374, %max3A_535 : vector<16xf32>
      %exp3A_548 = math.exp %sub3A_547 : vector<16xf32>
      %sub3A_549 = arith.subf %get3A_378, %max3A_535 : vector<16xf32>
      %exp3A_550 = math.exp %sub3A_549 : vector<16xf32>
      %sub3A_551 = arith.subf %get3A_382, %max3A_535 : vector<16xf32>
      %exp3A_552 = math.exp %sub3A_551 : vector<16xf32>
      %sub3A_553 = arith.subf %get3A_386, %max3A_535 : vector<16xf32>
      %exp3A_554 = math.exp %sub3A_553 : vector<16xf32>
      %sub3A_555 = arith.subf %get3A_390, %max3A_535 : vector<16xf32>
      %exp3A_556 = math.exp %sub3A_555 : vector<16xf32>
      %sub3A_557 = arith.subf %get3A_394, %max3A_535 : vector<16xf32>
      %exp3A_558 = math.exp %sub3A_557 : vector<16xf32>
      %sub3A_559 = arith.subf %get3A_398, %max3A_535 : vector<16xf32>
      %exp3A_560 = math.exp %sub3A_559 : vector<16xf32>
      %sub3A_561 = arith.subf %get3A_402, %max3A_535 : vector<16xf32>
      %exp3A_562 = math.exp %sub3A_561 : vector<16xf32>
      %sub3A_563 = arith.subf %get3A_406, %max3A_535 : vector<16xf32>
      %exp3A_564 = math.exp %sub3A_563 : vector<16xf32>
      %sub3A_565 = arith.subf %get3A_410, %max3A_535 : vector<16xf32>
      %exp3A_566 = math.exp %sub3A_565 : vector<16xf32>
      %sub3A_567 = arith.subf %get3A_414, %max3A_535 : vector<16xf32>
      %exp3A_568 = math.exp %sub3A_567 : vector<16xf32>
      %sub3A_569 = arith.subf %get3A_418, %max3A_535 : vector<16xf32>
      %exp3A_570 = math.exp %sub3A_569 : vector<16xf32>
      %sub3A_571 = arith.subf %get3A_422, %max3A_535 : vector<16xf32>
      %exp3A_572 = math.exp %sub3A_571 : vector<16xf32>
      %sub3A_573 = arith.subf %get3A_426, %max3A_535 : vector<16xf32>
      %exp3A_574 = math.exp %sub3A_573 : vector<16xf32>
      %sub3A_575 = arith.subf %get3A_430, %max3A_535 : vector<16xf32>
      %exp3A_576 = math.exp %sub3A_575 : vector<16xf32>
      %sub3A_577 = arith.subf %get3A_434, %max3A_535 : vector<16xf32>
      %exp3A_578 = math.exp %sub3A_577 : vector<16xf32>
      %add3A_579 = arith.addf %exp3A_538, %exp3A_540 : vector<16xf32>
      %add3A_580 = arith.addf %exp3A_542, %exp3A_544 : vector<16xf32>
      %add3A_581 = arith.addf %exp3A_546, %exp3A_548 : vector<16xf32>
      %add3A_582 = arith.addf %exp3A_550, %exp3A_552 : vector<16xf32>
      %add3A_583 = arith.addf %exp3A_554, %exp3A_556 : vector<16xf32>
      %add3A_584 = arith.addf %exp3A_558, %exp3A_560 : vector<16xf32>
      %add3A_585 = arith.addf %exp3A_562, %exp3A_564 : vector<16xf32>
      %add3A_586 = arith.addf %exp3A_566, %exp3A_568 : vector<16xf32>
      %add3A_587 = arith.addf %exp3A_570, %exp3A_572 : vector<16xf32>
      %add3A_588 = arith.addf %exp3A_574, %exp3A_576 : vector<16xf32>
      %add3A_589 = arith.addf %add3A_579, %add3A_580 : vector<16xf32>
      %add3A_590 = arith.addf %add3A_581, %add3A_582 : vector<16xf32>
      %add3A_591 = arith.addf %add3A_583, %add3A_584 : vector<16xf32>
      %add3A_592 = arith.addf %add3A_585, %add3A_586 : vector<16xf32>
      %add3A_593 = arith.addf %add3A_587, %add3A_588 : vector<16xf32>
      %add3A_594 = arith.addf %add3A_589, %add3A_590 : vector<16xf32>
      %add3A_595 = arith.addf %add3A_591, %add3A_592 : vector<16xf32>
      %add3A_596 = arith.addf %add3A_593, %exp3A_578 : vector<16xf32>
      %add3A_597 = arith.addf %add3A_594, %add3A_595 : vector<16xf32>
      %add3A_598 = arith.addf %add3A_597, %add3A_596 : vector<16xf32>
      %div3A_599 = arith.constant 1.000000e+00 : f32
      %div3A_600 = vector.broadcast %div3A_599 : f32 to vector<16xf32>
      %div3A_601 = arith.divf %div3A_600, %add3A_598 : vector<16xf32>
      %gather3A_602 = tpu.vector_load_idx %arg9[%select_n3A_536] : memref<23xf32, #tpu.memory_space<vmem>>[vector<16xi32>], vector<16xf32>,
      %ge3A_603 = arith.constant 0.000000e+00 : f32
      %ge3A_604 = vector.broadcast %ge3A_603 : f32 to vector<16xf32>
      %ge3A_605 = arith.cmpf oge, %get3A_346, %ge3A_604 : vector<16xf32>
      %lt3A_606 = arith.cmpf olt, %get3A_346, %gather3A : vector<16xf32>
      %and3A_607 = arith.andi %ge3A_605, %lt3A_606 : vector<16xi1>
      %ge3A_608 = arith.constant 0.000000e+00 : f32
      %ge3A_609 = vector.broadcast %ge3A_608 : f32 to vector<16xf32>
      %ge3A_610 = arith.cmpf oge, %get3A_350, %ge3A_609 : vector<16xf32>
      %and3A_611 = arith.andi %and3A_607, %ge3A_610 : vector<16xi1>
      %lt3A_612 = arith.cmpf olt, %get3A_350, %gather3A_22 : vector<16xf32>
      %and3A_613 = arith.andi %and3A_611, %lt3A_612 : vector<16xi1>
      %ge3A_614 = arith.cmpf oge, %div3A_601, %gather3A_602 : vector<16xf32>
      %and3A_615 = arith.andi %and3A_613, %ge3A_614 : vector<16xi1>
      %jit3A_616 = arith.constant -1.000000e+00 : f32
      %broadcast_in_dim3A_617 = vector.broadcast %jit3A_616 : f32 to vector<16xf32>
      %select_n3A_618 = arith.select %and3A_615, %get3A_346, %broadcast_in_dim3A_617 : vector<16xi1>, vector<16xf32>
      %swap3A_619 = arith.constant 0 : i32
      %swap3A_620 = arith.index_cast %swap3A_619 : i32 to index
      %swap3A_621 = arith.constant 16 : index
      %swap3A_622 = tpu.vector_load %arg14[%swap3A_620, %swap3A_621] {strides = array<i32>} : memref<2x32xf32, #tpu.memory_space<vmem>>, vector<16xf32>,
      tpu.vector_store %arg14[%swap3A_620, %swap3A_621], %select_n3A_618 {strides = array<i32>} : memref<2x32xf32, #tpu.memory_space<vmem>>, vector<16xf32>,
      %jit3A_623 = arith.constant -1.000000e+00 : f32
      %broadcast_in_dim3A_624 = vector.broadcast %jit3A_623 : f32 to vector<16xf32>
      %select_n3A_625 = arith.select %and3A_615, %get3A_350, %broadcast_in_dim3A_624 : vector<16xi1>, vector<16xf32>
      %swap3A_626 = arith.constant 1 : i32
      %swap3A_627 = arith.index_cast %swap3A_626 : i32 to index
      %swap3A_628 = arith.constant 16 : index
      %swap3A_629 = tpu.vector_load %arg14[%swap3A_627, %swap3A_628] {strides = array<i32>} : memref<2x32xf32, #tpu.memory_space<vmem>>, vector<16xf32>,
      tpu.vector_store %arg14[%swap3A_627, %swap3A_628], %select_n3A_625 {strides = array<i32>} : memref<2x32xf32, #tpu.memory_space<vmem>>, vector<16xf32>,
      %jit3A_630 = arith.constant -1 : i32
      %broadcast_in_dim3A_631 = vector.broadcast %jit3A_630 : i32 to vector<16xi32>
      %select_n3A_632 = arith.select %and3A_615, %select_n3A_536, %broadcast_in_dim3A_631 : vector<16xi1>, vector<16xi32>
      %swap3A_633 = arith.constant 16 : index
      %swap3A_634 = tpu.vector_load %arg15[%swap3A_633] {strides = array<i32>} : memref<32xi32, #tpu.memory_space<vmem>>, vector<16xi32>,
      tpu.vector_store %arg15[%swap3A_633], %select_n3A_632 {strides = array<i32>} : memref<32xi32, #tpu.memory_space<vmem>>, vector<16xi32>,
      %dma_start3A_635 = arith.constant 0 : i32
      %dma_start3A_636 = arith.constant 19968 : i32
      %dma_start3A_637 = tpu.memref_slice %arg5[%dma_start3A_635, %dma_start3A_636] : memref<2x20000xf32, #tpu.memory_space<hbm>> -> memref<2x32xf32, #tpu.memory_space<hbm>>
      %dma_start3A_638 = arith.constant 0 : i32
      %dma_start3A_639 = arith.constant 19968 : i32
      %dma_start3A_640 = tpu.memref_slice %arg5[%dma_start3A_638, %dma_start3A_639] : memref<2x20000xf32, #tpu.memory_space<hbm>> -> memref<2x32xf32, #tpu.memory_space<hbm>>
      tpu.enqueue_dma source(%arg14 : memref<2x32xf32, #tpu.memory_space<vmem>>) target(%dma_start3A_640 : memref<2x32xf32, #tpu.memory_space<hbm>>) target_semaphore(%arg16 : memref<!tpu.dma_semaphore, #tpu.memory_space<semaphore_mem>>)
      %dma_start3A_641 = arith.constant 19968 : i32
      %dma_start3A_642 = tpu.memref_slice %arg6[%dma_start3A_641] : memref<20000xi32, #tpu.memory_space<hbm>> -> memref<32xi32, #tpu.memory_space<hbm>>
      %dma_start3A_643 = arith.constant 19968 : i32
      %dma_start3A_644 = tpu.memref_slice %arg6[%dma_start3A_643] : memref<20000xi32, #tpu.memory_space<hbm>> -> memref<32xi32, #tpu.memory_space<hbm>>
      tpu.enqueue_dma source(%arg15 : memref<32xi32, #tpu.memory_space<vmem>>) target(%dma_start3A_644 : memref<32xi32, #tpu.memory_space<hbm>>) target_semaphore(%arg17 : memref<!tpu.dma_semaphore, #tpu.memory_space<semaphore_mem>>)
      %dma_wait3A_645 = arith.constant 0 : i32
      %dma_wait3A_646 = arith.constant 19968 : i32
      %dma_wait3A_647 = tpu.memref_slice %arg5[%dma_wait3A_645, %dma_wait3A_646] : memref<2x20000xf32, #tpu.memory_space<hbm>> -> memref<2x32xf32, #tpu.memory_space<hbm>>
      %dma_wait3A_648 = arith.constant 0 : i32
      %dma_wait3A_649 = arith.constant 19968 : i32
      %dma_wait3A_650 = tpu.memref_slice %arg5[%dma_wait3A_648, %dma_wait3A_649] : memref<2x20000xf32, #tpu.memory_space<hbm>> -> memref<2x32xf32, #tpu.memory_space<hbm>>
      tpu.wait_dma2 semaphore(%arg16 : memref<!tpu.dma_semaphore, #tpu.memory_space<semaphore_mem>>) src(%arg14 : memref<2x32xf32, #tpu.memory_space<vmem>>) dst(%dma_wait3A_650 : memref<2x32xf32, #tpu.memory_space<hbm>>)
      %dma_wait3A_651 = arith.constant 19968 : i32
      %dma_wait3A_652 = tpu.memref_slice %arg6[%dma_wait3A_651] : memref<20000xi32, #tpu.memory_space<hbm>> -> memref<32xi32, #tpu.memory_space<hbm>>
      %dma_wait3A_653 = arith.constant 19968 : i32
      %dma_wait3A_654 = tpu.memref_slice %arg6[%dma_wait3A_653] : memref<20000xi32, #tpu.memory_space<hbm>> -> memref<32xi32, #tpu.memory_space<hbm>>
      tpu.wait_dma2 semaphore(%arg17 : memref<!tpu.dma_semaphore, #tpu.memory_space<semaphore_mem>>) src(%arg15 : memref<32xi32, #tpu.memory_space<vmem>>) dst(%dma_wait3A_654 : memref<32xi32, #tpu.memory_space<hbm>>)
    } else {
    }
    return
  }
}

</mosaic_0001>

<sc_bundles>
// kernel: kernel.3.cloned.1.call-start
scs
__scs_entry_jumppad:
0x0: {  	(pc) =	sbr.rel $0x88, $3  }
0x1: {  	(tag) =	ssettag $0x0;
	lr =	simm.s32 $0x1  }
0x2: {  	[smem:$0x3F9C] =	sst lr;
	_ =	strace $0xD0000000  }
0x3: {  	_ = 	snop  }
0x4: {  	_ = 	snop  }
0x5: {  	_ = 	snop  }
0x6: {  	_ = 	snop  }
0x7: {  	_ = 	snop  }
__scs_overlays_trampoline_lowered:
0x8: {  	[smem:$0x3FAB] =	sst s0  }
0x9: {  	[smem:$0x3FAC] =	sst s1  }
0xa: {  	[smem:$0x3FAD] =	sst s2  }
0xb: {  	[smem:$0x3FAE] =	sst s3  }
0xc: {  	[smem:$0x3FAF] =	sst s4  }
0xd: {  	[smem:$0x3FB0] =	sst s5  }
0xe: {  	[smem:$0x3FB1] =	sst s6  }
0xf: {  	[smem:$0x3FB2] =	sst s7  }
0x10: {  	[smem:$0x3FB3] =	sst s8  }
0x11: {  	[smem:$0x3FB4] =	sst s9;
	s0 =	simm.s32 @!p0 $0x0  }
0x12: {  	s1 =	sld [smem:$0x3F9A];
	s0 =	simm.s32 @p0 $0x1  }
0x13: {  	[smem:$0x3FB5] =	sst s0;
	s0 =	simm.s32 @!p1 $0x0  }
0x14: {  	s2 =	sld [smem:$0x3F99];
	s0 =	simm.s32 @p1 $0x1  }
0x15: {  	[smem:$0x3FB6] =	sst s0;
	s0 =	simm.s32 @!p2 $0x0  }
0x16: {  	s3 =	sld [smem:$0x3FDB];
	s0 =	simm.s32 @p2 $0x1  }
0x17: {  	s4 =	simm.s32 $0x1BF5;
	[smem:$0x3FB8] =	sst s0  }
0x18: {  	s0 =	sld [smem:$0x3F9B];
	_ =	swait.ge [sflag:s4], $0x0  }
0x19: {  	s7 =	sld [smem:$0x3F9C]  }
0x1a: {  	s8 =	sadd.s32 $0xFFFFE003, lr  }
0x1b: {  	s9 =	sadd.s32 $0xFFFFFEF7, lr;
	s5 =	simm.s32 $0xFFFFFFFF;
	p2 =	slt.u32 s8, $0xFFFFF086  }
0x1c: {  	p1 =	slt.u32 s9, $0xF7A;
	s5 =	simm.s32 @!p2 $0x0  }
0x1d: {  	s5 =	simm.s32 @p1 $0x1;
	p0 =	seq.s32 s7, s2  }
0x1e: {  	s7 =	smul.u32 @!p0 $0xF7A, s2;
	p2 =	seq.s32 @!p0 s5, $0x0  }
0x1f: {  	s9 =	smul.u32 $0xF7A, s1;
	s8 =	simm.s32 @!p0 $0x1BF5;
	p2 =	por !p2, p0  }
0x20: {  	[sflag:s8] =	ssyncset.s32 @!p0 $0xFFFFF086;
	s6 =	sadd.s32 @!p0 s3, s7;
	s7 =	simm.s32 @!p0 $0x108  }
0x21: {  	s3 =	sadd.s32 s3, s9;
	s6 =	sadd.s32 @!p0 $0x88, s6;
	s7 =	simm.s32 @p2 $0x1082  }
0x22: {  	[simem:s7], [sflag:s8] =	dma.local @!p0 [hbm:s6], $0xF7A  }
0x23: {  	s9 =	sor.u32 $0xD0000000, s2;
	s6 =	simm.s32 $0x108;
	_ =	swait.ge @!p0 [sflag:s8], $0x0  }
0x24: {  	s3 =	sadd.s32 $0x88, s3;
	s6 =	simm.s32 @!p1 $0x1082;
	[sflag:s4] =	ssyncset.s32 $0xFFFFF086  }
0x25: {  	[simem:s6], [sflag:s4] =	dma.local [hbm:s3], $0xF7A  }
0x26: {  	[smem:$0x3F9C] =	sst s1;
	(tag) =	ssettag s2;
	_ =	strace s9  }
0x27: {  	s1 =	sld [smem:$0x3FAC]  }
0x28: {  	s2 =	sld [smem:$0x3FAD]  }
0x29: {  	s4 =	sld [smem:$0x3FAF]  }
0x2a: {  	p0 =	seq.s32 s5, $0x0;
	s5 =	sld [smem:$0x3FB0]  }
0x2b: {  	s6 =	sld [smem:$0x3FB1]  }
0x2c: {  	s7 =	sld [smem:$0x3FB2]  }
0x2d: {  	s3 =	simm.s32 $0x108;
	s8 =	sld [smem:$0x3FB3]  }
0x2e: {  	s3 =	simm.s32 @!p0 $0x1082;
	s9 =	sld [smem:$0x3FB4]  }
0x2f: {  	lr =	sadd.s32 s0, s3;
	s0 =	sld [smem:$0x3FAB]  }
0x30: {  	s3 =	sld [smem:$0x3FAE]  }
0x31: {  	[smem:$0x3FB7] =	sst s10  }
0x32: {  	s10 =	sld [smem:$0x3FB5];
	_ =	sdelay $0x3  }
0x33: {  	p0 =	seq.s32 s10, $0x1;
	s10 =	sld [smem:$0x3FB7];
	_ =	sdelay $0x3  }
0x34: {  	[smem:$0x3FB7] =	sst s10  }
0x35: {  	s10 =	sld [smem:$0x3FB6];
	_ =	sdelay $0x3  }
0x36: {  	p1 =	seq.s32 s10, $0x1;
	s10 =	sld [smem:$0x3FB7];
	_ =	sdelay $0x3  }
0x37: {  	[smem:$0x3FB7] =	sst s10  }
0x38: {  	s10 =	sld [smem:$0x3FB8]  }
0x39: {  	_ = 	snop;
	(pc) =	sbr.ind lr, $3  }
0x3a: {  	_ = 	snop  }
0x3b: {  	_ = 	snop  }
0x3c: {  	p2 =	seq.s32 s10, $0x1;
	s10 =	sld [smem:$0x3FB7]  }
0x3d: {  	_ =	shalt  }
0x3e: {  	_ =	shalt  }
0x3f: {  	_ =	shalt  }
0x40: {  	_ =	shalt  }
0x41: {  	_ =	shalt  }
0x42: {  	_ =	shalt  }
0x43: {  	_ =	shalt  }
0x44: {  	_ =	shalt  }
0x45: {  	_ =	shalt  }
0x46: {  	_ =	shalt  }
0x47: {  	_ =	shalt  }
0x48: {  	_ =	shalt  }
0x49: {  	_ =	shalt  }
0x4a: {  	_ =	shalt  }
0x4b: {  	_ =	shalt  }
0x4c: {  	_ =	shalt  }
0x4d: {  	_ =	shalt  }
0x4e: {  	_ =	shalt  }
0x4f: {  	_ =	shalt  }
0x50: {  	_ =	shalt  }
0x51: {  	_ =	shalt  }
0x52: {  	_ =	shalt  }
0x53: {  	_ =	shalt  }
0x54: {  	_ =	shalt  }
0x55: {  	_ =	shalt  }
0x56: {  	_ =	shalt  }
0x57: {  	_ =	shalt  }
0x58: {  	_ =	shalt  }
0x59: {  	_ =	shalt  }
0x5a: {  	_ =	shalt  }
0x5b: {  	_ =	shalt  }
0x5c: {  	_ =	shalt  }
0x5d: {  	_ =	shalt  }
0x5e: {  	_ =	shalt  }
0x5f: {  	_ =	shalt  }
0x60: {  	_ =	shalt  }
0x61: {  	_ =	shalt  }
0x62: {  	_ =	shalt  }
0x63: {  	_ =	shalt  }
0x64: {  	_ =	shalt  }
0x65: {  	_ =	shalt  }
0x66: {  	_ =	shalt  }
0x67: {  	_ =	shalt  }
0x68: {  	_ =	shalt  }
0x69: {  	_ =	shalt  }
0x6a: {  	_ =	shalt  }
0x6b: {  	_ =	shalt  }
0x6c: {  	_ =	shalt  }
0x6d: {  	_ =	shalt  }
0x6e: {  	_ =	shalt  }
0x6f: {  	_ =	shalt  }
0x70: {  	_ =	shalt  }
0x71: {  	_ =	shalt  }
0x72: {  	_ =	shalt  }
0x73: {  	_ =	shalt  }
0x74: {  	_ =	shalt  }
0x75: {  	_ =	shalt  }
0x76: {  	_ =	shalt  }
0x77: {  	_ =	shalt  }
0x78: {  	_ =	shalt  }
0x79: {  	_ =	shalt  }
0x7a: {  	_ =	shalt  }
0x7b: {  	_ =	shalt  }
0x7c: {  	_ =	shalt  }
0x7d: {  	_ =	shalt  }
0x7e: {  	_ =	shalt  }
0x7f: {  	_ =	shalt  }
0x80: {  	_ =	shalt  }
0x81: {  	_ =	shalt  }
0x82: {  	_ =	shalt  }
0x83: {  	_ =	shalt  }
0x84: {  	_ =	shalt  }
0x85: {  	_ =	shalt  }
0x86: {  	_ =	shalt  }
0x87: {  	_ =	shalt  }
.Lfunc_end0:
.L_simem_size_0:
called_computation_lowered:
.L_overlay_start_0:
0x88: {  	s2 =	sld [smem:$0x3FD9]  }
0x89: {  	s3 =	sld [smem:$0x3FFE];
	_ =	sdelay $0x1  }
0x8a: {  	s1 =	srdreg.scid  }
0x8b: {  	s0 =	sand.u32 $0x1, s1  }
0x8c: {  	s14 =	sshll.u32 s0, $0xA;
	s2 =	sadd.s32 s3, s2  }
0x8d: {  	s2 =	sadd.s32 s2, s14  }
0x8e: {  	[smem:$0x3FC3] =	sst s2  }
0x8f: {  	_ = 	snop  }
0x90: {  	s2 =	sld [smem:$0x3FD0];
	_ =	sdelay $0x1  }
0x91: {  	s15 =	sld [smem:$0x3FC9]  }
0x92: {  	s5 =	simm.s32 $0xA;
	s6 =	simm.s32 $0x10;
	s4 =	sld [smem:$0x3FC8]  }
0x93: {  	[smem:s6], [sflag:s5] =	dma.local [hbm:s2], $0x1  }
0x94: {  	_ =	swait.eq [sflag:s5], $0x1  }
0x95: {  	[sflag:s5] =	ssyncset.done $0x0  }
0x96: {  	s16 =	sld [smem:$0x10];
	[sflag:s5] =	ssyncadd.s32 $0xFFFFFFFF  }
0x97: {  	s17 =	sld [smem:$0x11];
	(tm) =	ssettm $0x1  }
0x98: {  	s18 =	sld [smem:$0x3FFB];
	_ =	sdelay $0x3  }
0x99: {  	_ =	strace s18  }
0x9a: {  	s6 =	sld [smem:$0x3FFC];
	_ =	sdelay $0x3  }
0x9b: {  	_ =	strace s6  }
0x9c: {  	s6 =	sld [smem:$0x3FFD];
	_ =	sdelay $0x3  }
0x9d: {  	_ =	strace s6  }
0x9e: {  	_ =	strace $0x8FFFFFFF  }
0x9f: {  	s19 =	sld [smem:$0x3FDB];
	_ =	sdelay $0x1  }
0xa0: {  	s7 =	simm.s32 $_scs_section_size  }
0xa1: {  	s8 =	simm.s32 $_size__tile_overlayer_lowered;
	s9 =	simm.s32 $_tile_overlayer_lowered  }
0xa2: {  	s22 =	simm.s32 $0x1BFF;
	s21 =	sshll.u32 s9, $0x1;
	s6 =	sadd.s32 s7, s19  }
0xa3: {  	s10 =	simm.s32 $0x0;
	s20 =	sshll.u32 s8, $0x1;
	s8 =	sadd.s32 s21, s6  }
0xa4: {  	[timem:s10], [sflag:s22] =	dma.local [hbm:s8], s20  }
0xa5: {  	_ =	swait.ge [sflag:s22], s20  }
0xa6: {  	s7 =	ssub.s32 $0x0, s20;
	[sflag:s22] =	ssyncset.done $0x0  }
0xa7: {  	[sflag:s22] =	ssyncadd.s32 s7;
	_ =	sdelay $0x1  }
0xa8: {  	s23 =	simm.s32 $0x1B8B  }
0xa9: {  	_ =	swait.ge [sflag:s23], $0x1  }
0xaa: {  	[sflag:s23] =	ssyncset.done $0x0  }
0xab: {  	s25 =	simm.s32 $0x1B8E;
	s24 =	sld [smem:$0x3FFE];
	[sflag:s23] =	ssyncadd.s32 $0xFFFFFFFF  }
0xac: {  	s26 =	simm.s32 $execute0_lowered;
	[smem:$0x3FD2] =	sst s25  }
0xad: {  	s8 =	sshll.u32 s26, $0x1;
	_ =	strace $0x80000046;
	[dreg:$0x1] =	wrdreg $0xFFFFFFFF  }
0xae: {  	s28 =	simm.s32 $_size_execute0_lowered;
	s6 =	sadd.s32 s6, s8;
	[dreg:$0x0] =	wrdreg $0x0  }
0xaf: {  	s8 =	sshll.u32 s28, $0x1;
	[dreg:$0x2] =	wrdreg s6  }
0xb0: {  	[dreg:$0x3] =	wrdreg s8  }
0xb1: {  	[dreg:$0x4] =	wrdreg $0xC0  }
0xb2: {  	_ =	task [dreg:s10], $0x5FFFF  }
0xb3: {  	[dreg:$0x1] =	wrdreg $0xFFFFFFFF  }
0xb4: {  	[dreg:$0x0] =	wrdreg $0x60  }
0xb5: {  	[dreg:$0x2] =	wrdreg s15  }
0xb6: {  	[dreg:$0x3] =	wrdreg s4  }
0xb7: {  	[dreg:$0x4] =	wrdreg s24  }
0xb8: {  	[dreg:$0x5] =	wrdreg s16  }
0xb9: {  	[dreg:$0x6] =	wrdreg s17  }
0xba: {  	[dreg:$0x7] =	wrdreg $0x9  }
0xbb: {  	_ =	task.clear_ibuf [dreg:s10], $0x8FFFF;
	_ =	strace $0x90000046  }
0xbc: {  	s29 =	simm.s32 $0x9;
	_ =	strace $0x80000048  }
0xbd: {  	_ =	swait.ge [sflag:s29], $0x1  }
0xbe: {  	[sflag:s29] =	ssyncadd.s32 $0xFFFFFFFF  }
0xbf: {  	_ =	strace $0x90000048  }
0xc0: {  	_ =	sfence  }
0xc1: {  	s30 =	sld [smem:$0x0];
	_ =	sdelay $0x2  }
0xc2: {  	s31 =	sshll.u32 s1, $0xD;
	s1 =	sshrl.u32 s1, $0x2  }
0xc3: {  	s3 =	sand.u32 $0x4000, s31;
	s1 =	sadd.s32 s1, s30  }
0xc4: {  	s0 =	sor.u32 s3, s0;
	s1 =	sshll.u32 s1, $0x11  }
0xc5: {  	s0 =	sor.u32 s1, s0  }
0xc6: {  	s0 =	sadd.s32 $0x8F2B, s0  }
0xc7: {  	[sflag:s0] =	ssyncadd.remote.s32 $0x1  }
0xc8: {  	_ =	sfence.sel $0xFFFF  }
0xc9: {  	[dreg:$0x0] =	wrdreg $0xFFFFFFFF;
	(pc) =	sbr.abs _section_cstart, $3  }
0xca: {  	[dreg:$0x1] =	wrdreg $0xFFFFFFFF  }
0xcb: {  	_ =	task.clear_ibuf [dreg:s10], $0x2FFFF;
	_ =	strace $0x9FFFFFFF  }
0xcc: {  	(tm) =	ssettm $0x7FFFFFFF  }
0xcd: {  	_ =	shalt  }
tec
execute0_lowered:
.L_overlay_start_1:
0x0: {  	(tag) =	ssettag $0x1  }
0x1: {  	s0 =	rddreg [dreg:$0x0]  }
0x2: {  	s1 =	rddreg [dreg:$0x1]  }
0x3: {  	s3 =	rddreg [dreg:$0x2]  }
0x4: {  	s10 =	rddreg [dreg:$0x3];
	s2 =	srdreg.scid  }
0x5: {  	s5 =	stileid.u32;
	s11 =	rddreg [dreg:$0x4];
	s13 =	simm.s32 $0x1400  }
0x6: {  	s14 =	simm.s32 $0x27400;
	s15 =	simm.s32 $0x500;
	s16 =	simm.s32 $0x4100  }
0x7: {  	s17 =	simm.s32 $0x1;
	s18 =	simm.s32 $0x2;
	s19 =	simm.s32 $0x3  }
0x8: {  	s21 =	simm.s32 $0x4680;
	s25 =	simm.s32 $0x5500;
	s26 =	simm.s32 $0x5600  }
0x9: {  	s28 =	simm.s32 $0x5700;
	s29 =	simm.s32 $0x0;
	s4 =	sand.u32 $0x1, s2  }
0xa: {  	s5 =	sshll.u32 s5, $0x1;
	s2 =	simm.s32 $0x0;
	s3 =	sadd.s32 $0x800, s3  }
0xb: {  	s9 =	sadd.s32 $0x1380, s0;
	s20 =	sor.u32 s4, s5;
	[smem:$0x7FF] =	sst s2  }
0xc: {  	s4 =	ssub.s32 $0x2, s4;
	s5 =	smul.u32 $0x270, s20;
	_ =	strace $0x80000047  }
0xd: {  	s6 =	sshrl.u32 s4, $0x1;
	p0 =	sne.s32 s20, $0x1F;
	s20 =	simm.s32 $0x4180  }
.Ltmp0:
0xe: {  	s12 =	ssub.s32 s4, s6;
	s30 =	sshrl.u32 s5, $0x2;
	(pc) =	sbr.rel .LBB2_1-.Ltmp0, $4  }
0xf: {  	s31 =	sand.u32 $0x7F80, s5;
	s8 =	sshrl.u32 s5, $0x3;
	s12 =	smax.u32 s12, $0x1  }
0x10: {  	v0 =	vimm.s32 $0x0;
	v5 =	vimm.s32 $0x2;
	v6 =	vimm.s32 $0x4;
	s7 =	sand.u32 $0x1FE0, s30;
	s4 =	sadd.s32 s1, s31;
	s8 =	sand.u32 $0xFF0, s8  }
0x11: {  	v7 =	vimm.s32 $0x6;
	v8 =	vimm.s32 $0x8;
	v9 =	vimm.s32 $0xA;
	s5 =	sadd.s32 s0, s7;
	s6 =	sadd.s32 s10, s7;
	s7 =	sadd.s32 s11, s8  }
0x12: {  	v10 =	vimm.s32 $0xC;
	v2 =	vimm.s32 $0xE;
	v1 =	vimm.s32 $0x10;
	s8 =	sadd.s32 $0x4E00, s1;
	s10 =	sadd.s32 $0x1380, s10;
	s11 =	sadd.s32 $0x9C0, s11  }
.LBB2_5:
0x13: {  	s29 =	sadd.s32 $0x1, s29  }
0x14: {  	p1 =	sne.s32 s29, s12  }
.Ltmp1:
0x15: {  	_ = 	snop;
	(pc) =	sbr.rel @!p1 .LBB2_6-.Ltmp1, $2  }
0x16: {  	_ =	sdelay $0x2  }
0x17: {  	v0 =	vimm.s32 $0x0;
	v1 =	vimm.s32 $0x10  }
.LBB2_1:
0x18: {  	[tilespmem:s15], [sflag:$0x1] =	stream.strided.gather [hbm4b:s4+s13], $0x3C00, s14, s13, $0x38;
	[tilespmem:$0x5780] =	vst v63  }
0x19: {  	_ = 	snop  }
0x1a: {  	[tilespmem:s2], [sflag:$0x2] =	stream.linear.gather [hbm4b:s5+s2], $0x500, $0x38;
	[tilespmem:$0x5780] =	vst v63  }
0x1b: {  	_ = 	snop  }
0x1c: {  	[tilespmem:s16], [sflag:$0x3] =	stream.linear.gather [hbm4b:s3+s2], $0x80, $0x38;
	[tilespmem:$0x5780] =	vst v63  }
0x1d: {  	_ =	swait.ge [sflag:s17], $0x3C00  }
0x1e: {  	[sflag:s17] =	ssyncset.done $0x0  }
0x1f: {  	[sflag:s17] =	ssyncadd.s32 $0xFFFFC400  }
0x20: {  	_ =	swait.ge [sflag:s18], $0x500  }
0x21: {  	[sflag:s18] =	ssyncset.done $0x0  }
0x22: {  	[sflag:s18] =	ssyncadd.s32 $0xFFFFFB00  }
0x23: {  	s1 =	simm.s32 $0x0;
	_ =	swait.ge [sflag:s19], $0x80  }
0x24: {  	s0 =	sand.u32 $0x70, s2;
	s1 =	sand.u32 $0x3FFFFC00, s1;
	[sflag:s19] =	ssyncset.done $0x0  }
0x25: {  	s1 =	sor.u32 s0, s1;
	[sflag:s19] =	ssyncadd.s32 $0xFFFFFF80  }
0x26: {  	v14 =	vld [tilespmem:s1+$0x2D00]  }
0x27: {  	v16 =	vld [tilespmem:s1+$0x2D80]  }
0x28: {  	v18 =	vld [tilespmem:s1+$0x2E00]  }
0x29: {  	v33 =	vld [tilespmem:s1+$0x2E80]  }
0x2a: {  	v34 =	vld [tilespmem:s1+$0x500]  }
0x2b: {  	v35 =	vld [tilespmem:s1+$0x580]  }
0x2c: {  	v36 =	vld [tilespmem:s1+$0x600]  }
0x2d: {  	v37 =	vld [tilespmem:s1+$0x680]  }
0x2e: {  	v38 =	vld [tilespmem:s1+$0x700]  }
0x2f: {  	v39 =	vld [tilespmem:s1+$0x780]  }
0x30: {  	v40 =	vld [tilespmem:s1+$0x800]  }
0x31: {  	v41 =	vld [tilespmem:s1+$0x880]  }
0x32: {  	v42 =	vld [tilespmem:s1+$0x1900]  }
0x33: {  	v43 =	vld [tilespmem:s1+$0x1980]  }
0x34: {  	v44 =	vld [tilespmem:s1+$0x1A00]  }
0x35: {  	v45 =	vld [tilespmem:s1+$0x1A80]  }
0x36: {  	v46 =	vld [tilespmem:s1+$0x1B00]  }
0x37: {  	v47 =	vld [tilespmem:s1+$0x1B80]  }
0x38: {  	v48 =	vld [tilespmem:s1+$0x1C00]  }
0x39: {  	v49 =	vld [tilespmem:s1+$0x1C80];
	_ =	sdelay $0x1  }
0x3a: {  	v50 =	vmax.f32 v14, v16;
	v51 =	vmax.f32 v18, v33  }
0x3b: {  	v21 =	vld [tilespmem:s1+$0x2F00];
	v24 =	vmax.f32 v34, v35;
	v27 =	vmax.f32 v36, v37;
	v28 =	vmax.f32 v38, v39  }
0x3c: {  	v32 =	vmax.f32 v40, v41;
	v29 =	vmax.f32 v42, v43;
	v30 =	vmax.f32 v44, v45  }
0x3d: {  	v25 =	vmax.f32 v46, v47;
	v26 =	vmax.f32 v48, v49;
	v22 =	vmax.f32 v24, v27  }
0x3e: {  	v23 =	vmax.f32 v28, v32;
	v17 =	vmax.f32 v29, v30;
	v20 =	vmax.f32 v25, v26  }
0x3f: {  	v31 =	vmax.f32 v50, v51;
	v15 =	vmax.f32 v22, v23;
	v19 =	vmax.f32 v17, v20  }
0x40: {  	v12 =	vmax.f32 v31, v21;
	v13 =	vmax.f32 v15, v19  }
0x41: {  	v52 =	vmax.f32 v13, v12  }
0x42: {  	v3 =	vimm.s32 $0x12;
	vm0 =	vgt.f32 v16, v14;
	v53 =	vsub.f32 v14, v52  }
0x43: {  	vm2 =	vgt.f32 v33, v18;
	v54 =	vsub.f32 v16, v52;
	v55 =	vsub.f32 v18, v52  }
0x44: {  	vm3 =	vgt.f32 v35, v34;
	v56 =	vsub.f32 v33, v52;
	v53 =	vmul.f32 $1.442695020e+00, v53  }
0x45: {  	v57 =	vsub.f32 v34, v52;
	v54 =	vmul.f32 $1.442695020e+00, v54;
	v55 =	vmul.f32 $1.442695020e+00, v55  }
0x46: {  	v63 =	vsub.f32 v35, v52;
	v56 =	vmul.f32 $1.442695020e+00, v56;
	(erf) = vpow2.f32 v53  }
0x47: {  	v61 =	vsub.f32 v36, v52;
	v60 =	vmul.f32 $1.442695020e+00, v57;
	(erf) = vpow2.f32 v54  }
0x48: {  	v62 =	vsub.f32 v37, v52;
	v53 =	vmul.f32 $1.442695020e+00, v63;
	(erf) = vpow2.f32 v55  }
0x49: {  	v63 =	vsub.f32 v38, v52;
	(erf) = vpow2.f32 v56;
	v56 =	vmul.f32 $1.442695020e+00, v61  }
0x4a: {  	v61 =	vsub.f32 v39, v52;
	(erf) = vpow2.f32 v60;
	v60 =	vmul.f32 $1.442695020e+00, v62  }
0x4b: {  	v62 =	vsub.f32 v40, v52;
	(erf) = vpow2.f32 v53;
	v53 =	vmul.f32 $1.442695020e+00, v63  }
0x4c: {  	v55 =	vmul.f32 $1.442695020e+00, v61;
	v63 =	vsub.f32 v41, v52;
	(erf) = vpow2.f32 v56  }
0x4d: {  	v61 =	vsub.f32 v42, v52;
	(erf) = vpow2.f32 v60;
	v60 =	vmul.f32 $1.442695020e+00, v62  }
0x4e: {  	v58 =	vsub.f32 v44, v52;
	v62 =	vmul.f32 $1.442695020e+00, v63;
	(erf) = vpow2.f32 v53  }
0x4f: {  	v63 =	vsub.f32 v43, v52;
	v57 =	vmul.f32 $1.442695020e+00, v61;
	(erf) = vpow2.f32 v55  }
0x50: {  	v59 =	vsub.f32 v45, v52;
	v58 =	vmul.f32 $1.442695020e+00, v58;
	v55 =	vpop (erf);
	(erf) = vpow2.f32 v60  }
0x51: {  	v56 =	vmul.f32 $1.442695020e+00, v63;
	v54 =	vpop (erf);
	v60 =	vsub.f32 v46, v52;
	(erf) = vpow2.f32 v62  }
0x52: {  	v59 =	vmul.f32 $1.442695020e+00, v59;
	v61 =	vsub.f32 v47, v52;
	v53 =	vpop (erf);
	(erf) = vpow2.f32 v57  }
0x53: {  	vm4 =	vgt.f32 v37, v36;
	v57 =	vpop (erf);
	(erf) = vpow2.f32 v56;
	v56 =	vmul.f32 $1.442695020e+00, v60  }
0x54: {  	s24 =	simm.s32 $0x80;
	s31 =	simm.s32 $0x10;
	vm1 =	vgt.f32 v49, v48;
	v62 =	vpop (erf);
	(erf) = vpow2.f32 v58;
	v58 =	vmul.f32 $1.442695020e+00, v61  }
0x55: {  	s30 =	sand.u32 $0x70, s31;
	s1 =	sand.u32 $0x3FFFFC00, s24;
	vm5 =	vgt.f32 v39, v38;
	v2 =	vsel vm1, $0xF, v2;
	v60 =	vsub.f32 v48, v52;
	v63 =	vpop (erf)  }
0x56: {  	s1 =	sor.u32 s30, s1;
	vm1 =	vgt.f32 v32, v28;
	v61 =	vsub.f32 v49, v52;
	(erf) = vpow2.f32 v59;
	v59 =	vpop (erf)  }
0x57: {  	v28 =	vld [tilespmem:s1+$0x780];
	v37 =	vsel vm2, $0x13, v3;
	v60 =	vmul.f32 $1.442695020e+00, v60;
	(erf) = vpow2.f32 v56;
	v56 =	vpop (erf)  }
0x58: {  	vm2 =	vgt.f32 v27, v24;
	v27 =	vld [tilespmem:s1+$0x700];
	v14 =	vmul.f32 $1.442695020e+00, v61;
	(erf) = vpow2.f32 v58;
	v58 =	vpop (erf)  }
0x59: {  	vm6 =	vgt.f32 v41, v40;
	vm7 =	vgt.f32 v43, v42;
	(erf) = vpow2.f32 v60;
	v18 =	vpop (erf)  }
0x5a: {  	vm8 =	vgt.f32 v45, v44;
	vm9 =	vgt.f32 v47, v46;
	v33 =	vpop (erf);
	(erf) = vpow2.f32 v14  }
0x5b: {  	vm14 =	vgt.f32 v26, v25;
	v32 =	vld [tilespmem:s1+$0x1900];
	v36 =	vsel vm0, $0x11, v1;
	vm0 =	vgt.f32 v51, v50;
	v34 =	vpop (erf)  }
0x5c: {  	v51 =	vld [tilespmem:s1+$0x2E00];
	v44 =	vsel vm7, $0x9, v8;
	v8 =	vimm.s32 $0x6;
	v14 =	vsub.f32 v21, v52;
	v35 =	vpop (erf)  }
0x5d: {  	v24 =	vld [tilespmem:s1+$0x680];
	v25 =	vsel vm0, v37, v36;
	vm0 =	vgt.f32 v21, v31;
	v37 =	vmax.f32 v27, v28;
	v38 =	vpop (erf)  }
0x5e: {  	v45 =	vld [tilespmem:s1+$0x1B80];
	v40 =	vsel vm3, $0x1, v0;
	vm3 =	vgt.f32 v30, v29;
	v16 =	vmul.f32 $1.442695020e+00, v14;
	v0 =	vpop (erf)  }
0x5f: {  	v39 =	vld [tilespmem:s1+$0x1980];
	v41 =	vsel vm4, $0x3, v5;
	v46 =	vadd.f32 v54, v55;
	v47 =	vadd.f32 v57, v53;
	v1 =	vpop (erf)  }
0x60: {  	v29 =	vld [tilespmem:s1+$0x800];
	v42 =	vsel vm5, $0x5, v6;
	v50 =	vadd.f32 v63, v62;
	(erf) = vpow2.f32 v16;
	v48 =	vpop (erf)  }
0x61: {  	v30 =	vld [tilespmem:s1+$0x880];
	v6 =	vimm.s32 $0x2;
	v26 =	vadd.f32 v47, v46;
	v53 =	vadd.f32 v56, v59;
	v54 =	vpop (erf)  }
0x62: {  	v5 =	vimm.s32 $0x0;
	v46 =	vld [tilespmem:s1+$0x1C00];
	v62 =	vadd.f32 v18, v58;
	v33 =	vadd.f32 v34, v33;
	v63 =	vpop (erf)  }
0x63: {  	v43 =	vsel vm6, $0x7, v7;
	v47 =	vld [tilespmem:s1+$0x1C80];
	v35 =	vadd.f32 v38, v35;
	v0 =	vadd.f32 v1, v0;
	v1 =	vpop (erf)  }
0x64: {  	v7 =	vimm.s32 $0x4;
	v61 =	vld [tilespmem:s1+$0x2E80];
	v48 =	vadd.f32 v54, v48;
	v34 =	vadd.f32 v1, v63  }
0x65: {  	v49 =	vsel vm8, $0xB, v9;
	v60 =	vld [tilespmem:s1+$0x2D00];
	v33 =	vadd.f32 v33, v62;
	v54 =	vadd.f32 v53, v50  }
0x66: {  	v59 =	vsel vm3, v49, v44;
	v44 =	vld [tilespmem:s1+$0x1B00];
	v35 =	vadd.f32 v0, v35;
	v34 =	vadd.f32 v34, v48  }
0x67: {  	s22 =	simm.s32 $0x0;
	v55 =	vsel vm9, $0xD, v10;
	v57 =	vsel vm2, v41, v40;
	v52 =	vld [tilespmem:s1+$0x2D80];
	v58 =	vsel vm1, v43, v42  }
0x68: {  	s22 =	sand.u32 $0xFFFFFF00, s22;
	v18 =	vld [tilespmem:s1+$0x600];
	vm1 =	vgt.f32 v23, v22;
	v21 =	vadd.f32 v33, v54;
	v31 =	vadd.f32 v34, v35  }
0x69: {  	s0 =	sor.u32 s0, s22;
	vm2 =	vgt.f32 v20, v17;
	v42 =	vld [tilespmem:s1+$0x1A00];
	v23 =	vsel vm14, v2, v55;
	v17 =	vsel vm1, v58, v57;
	v62 =	vpop (erf)  }
0x6a: {  	v55 =	vld [tilespmem:s0+$0x80];
	v58 =	vimm.s32 $0x15;
	v22 =	vadd.f32 v26, v62;
	v21 =	vadd.f32 v31, v21  }
0x6b: {  	v10 =	vimm.s32 $0xA;
	v20 =	vsel vm2, v23, v59;
	v59 =	vimm.s32 $0x16;
	v14 =	vld [tilespmem:s1+$0x500]  }
0x6c: {  	v9 =	vimm.s32 $0x8;
	vm1 =	vgt.f32 v19, v15;
	v16 =	vld [tilespmem:s1+$0x580];
	v15 =	vadd.f32 v21, v22  }
0x6d: {  	v43 =	vld [tilespmem:s1+$0x1A80];
	v19 =	vsel vm0, $0x14, v25;
	vm0 =	vgt.f32 v12, v13;
	v17 =	vsel vm1, v20, v17  }
0x6e: {  	v49 =	vmax.f32 v51, v61;
	v53 =	vsel vm0, v19, v17;
	v54 =	vld [tilespmem:s0+$0x0];
	(erf) = vrcp.f32 v15  }
0x6f: {  	v13 =	vimm.s32 $0x10;
	v38 =	vmax.f32 v29, v30;
	v41 =	vmax.f32 v18, v24;
	v1 =	vld.idx.msk [tilespmem:v58+s16+$0x0], $0xffff  }
0x70: {  	vm3 =	vge.f32 v55, $0.0e+00;
	v0 =	vld.idx.msk [tilespmem:v59+s16+$0x0], $0xffff;
	vm0 =	vgt.f32 v52, v60;
	v48 =	vmax.f32 v60, v52  }
0x71: {  	v40 =	vmax.f32 v14, v16;
	v33 =	vmax.f32 v32, v39;
	v36 =	vmax.f32 v48, v49;
	v22 =	vld [tilespmem:s1+$0x2F00]  }
0x72: {  	v35 =	vmax.f32 v42, v43;
	v34 =	vmax.f32 v46, v47;
	v26 =	vmax.f32 v37, v38  }
0x73: {  	v63 =	vld.idx.msk [tilespmem:v53+s16+$0x0], $0xffff;
	v23 =	vmax.f32 v33, v35;
	vm1 =	vge.f32 v54, $0.0e+00;
	v31 =	vmax.f32 v44, v45  }
0x74: {  	vm15 =	vlt.f32 v54, v1;
	v25 =	vmax.f32 v31, v34;
	v21 =	vmax.f32 v40, v41  }
0x75: {  	vm1 =	vmand vm1, vm3;
	v20 =	vmax.f32 v23, v25;
	v19 =	vmax.f32 v21, v26  }
0x76: {  	vm3 =	vlt.f32 v55, v0;
	v17 =	vmax.f32 v19, v20;
	v15 =	vmax.f32 v36, v22  }
0x77: {  	vm4 =	vmand vm1, vm15;
	vm1 =	vgt.f32 v61, v51;
	v50 =	vmax.f32 v17, v15;
	v62 =	vpop (erf)  }
0x78: {  	v52 =	vsub.f32 v52, v50;
	vm2 =	vge.f32 v62, v63;
	v63 =	vsub.f32 v60, v50  }
0x79: {  	v11 =	vmovc v1;
	vm3 =	vmand vm3, vm4;
	v51 =	vsub.f32 v51, v50;
	v1 =	vsub.f32 v61, v50  }
0x7a: {  	v2 =	vsub.f32 v14, v50;
	v52 =	vmul.f32 $1.442695020e+00, v52;
	v56 =	vmul.f32 $1.442695020e+00, v63  }
0x7b: {  	v51 =	vmul.f32 $1.442695020e+00, v51;
	v57 =	vmul.f32 $1.442695020e+00, v1;
	v60 =	vsub.f32 v16, v50  }
0x7c: {  	v62 =	vmul.f32 $1.442695020e+00, v2;
	vm2 =	vmand vm3, vm2;
	(erf) = vpow2.f32 v56  }
0x7d: {  	v54 =	vnsel vm2, $0xBF800000, v54;
	v55 =	vnsel vm2, $0xBF800000, v55;
	(erf) = vpow2.f32 v52  }
0x7e: {  	v61 =	vnsel vm2, $0xFFFFFFFF, v53;
	v63 =	vsub.f32 v18, v50;
	[tilespmem:s0+$0x4180] =	vst v54;
	(erf) = vpow2.f32 v51  }
0x7f: {  	v53 =	vsub.f32 v24, v50;
	[tilespmem:s0+$0x4200] =	vst v55;
	v51 =	vmul.f32 $1.442695020e+00, v60;
	(erf) = vpow2.f32 v57  }
0x80: {  	s22 =	simm.s32 $0x2;
	v12 =	vmovc v0;
	s1 =	simm.s32 $0x4680;
	s0 =	simm.s32 $0x1;
	v54 =	vsub.f32 v27, v50;
	[tilespmem:s21+$0x0] =	vst v61;
	v52 =	vmul.f32 $1.442695020e+00, v63;
	(erf) = vpow2.f32 v62  }
.LBB2_2:
0x81: {  	v53 =	vmul.f32 $1.442695020e+00, v53;
	v55 =	vsub.f32 v28, v50;
	(erf) = vpow2.f32 v51  }
0x82: {  	p1 =	sne.s32 s22, $0x27;
	v56 =	vsub.f32 v47, v50;
	vm2 =	vgt.f32 v16, v14;
	vm3 =	vgt.f32 v24, v18  }
0x83: {  	v51 =	vmul.f32 $1.442695020e+00, v54;
	v54 =	vsub.f32 v29, v50;
	(erf) = vpow2.f32 v52  }
0x84: {  	v52 =	vmul.f32 $1.442695020e+00, v55;
	v55 =	vsub.f32 v30, v50;
	(erf) = vpow2.f32 v53  }
0x85: {  	v53 =	vmul.f32 $1.442695020e+00, v54;
	v54 =	vsub.f32 v32, v50;
	(erf) = vpow2.f32 v51  }
0x86: {  	v51 =	vmul.f32 $1.442695020e+00, v55;
	v55 =	vsub.f32 v39, v50;
	(erf) = vpow2.f32 v52;
	v57 =	vpop (erf)  }
0x87: {  	v52 =	vmul.f32 $1.442695020e+00, v54;
	v54 =	vsub.f32 v42, v50;
	(erf) = vpow2.f32 v53;
	v58 =	vpop (erf)  }
0x88: {  	v53 =	vmul.f32 $1.442695020e+00, v55;
	v55 =	vsub.f32 v43, v50;
	(erf) = vpow2.f32 v51;
	v59 =	vpop (erf)  }
0x89: {  	v51 =	vmul.f32 $1.442695020e+00, v54;
	v54 =	vsub.f32 v44, v50;
	(erf) = vpow2.f32 v52;
	v60 =	vpop (erf)  }
0x8a: {  	v52 =	vmul.f32 $1.442695020e+00, v55;
	v55 =	vsub.f32 v45, v50;
	v61 =	vpop (erf);
	(erf) = vpow2.f32 v53  }
0x8b: {  	s23 =	sshll.u32 s0, $0x5;
	s0 =	smov.u32 s22;
	v53 =	vmul.f32 $1.442695020e+00, v54;
	v54 =	vsub.f32 v46, v50;
	v62 =	vpop (erf);
	(erf) = vpow2.f32 v51  }
0x8c: {  	vm4 =	vgt.f32 v28, v27;
	s23 =	sand.u32 $0xFFFFFF00, s23;
	v55 =	vmul.f32 $1.442695020e+00, v55;
	v63 =	vpop (erf);
	(erf) = vpow2.f32 v52  }
0x8d: {  	s24 =	sshll.u32 s22, $0x7;
	s31 =	sadd.s32 $0x10, s31;
	vm5 =	vgt.f32 v30, v29;
	s23 =	sor.u32 s30, s23;
	v14 =	vmul.f32 $1.442695020e+00, v54;
	v0 =	vpop (erf);
	(erf) = vpow2.f32 v53  }
0x8e: {  	vm6 =	vgt.f32 v39, v32;
	s24 =	sand.u32 $0x3FFFFC00, s24;
	s30 =	sand.u32 $0x70, s31;
	v16 =	vmul.f32 $1.442695020e+00, v56;
	v51 =	vld [tilespmem:s23+$0x0];
	v1 =	vpop (erf);
	(erf) = vpow2.f32 v55  }
0x8f: {  	vm7 =	vgt.f32 v43, v42;
	vm8 =	vgt.f32 v45, v44;
	s24 =	sor.u32 s30, s24;
	v52 =	vld [tilespmem:s23+$0x80];
	v28 =	vpop (erf);
	(erf) = vpow2.f32 v14  }
0x90: {  	vm9 =	vgt.f32 v47, v46;
	v2 =	vimm.s32 $0x12;
	v53 =	vld [tilespmem:s24+$0x2D00];
	v29 =	vpop (erf);
	(erf) = vpow2.f32 v16  }
0x91: {  	v3 =	vimm.s32 $0xE;
	v47 =	vsel vm5, $0x7, v8;
	v32 =	vsel vm0, $0x11, v13;
	v54 =	vld [tilespmem:s24+$0x2D80];
	v30 =	vpop (erf)  }
0x92: {  	vm0 =	vgt.f32 v49, v48;
	v39 =	vsel vm1, $0x13, v2;
	v16 =	vsub.f32 v22, v50;
	v55 =	vld [tilespmem:s24+$0x2E00];
	v42 =	vpop (erf)  }
0x93: {  	v43 =	vsel vm2, $0x1, v5;
	v44 =	vsel vm3, $0x3, v6;
	v45 =	vsel vm4, $0x5, v7;
	v56 =	vld [tilespmem:s24+$0x2E80];
	v46 =	vpop (erf)  }
0x94: {  	v48 =	vsel vm6, $0x9, v9;
	v2 =	vimm.s32 $0xC;
	v24 =	vmul.f32 $1.442695020e+00, v16;
	v14 =	vld [tilespmem:s24+$0x500];
	v49 =	vpop (erf)  }
0x95: {  	v3 =	vsel vm9, $0xF, v3;
	v2 =	vsel vm8, $0xD, v2;
	v50 =	vsel vm7, $0xB, v10;
	v16 =	vld [tilespmem:s24+$0x580];
	v4 =	vpop (erf)  }
0x96: {  	v57 =	vadd.f32 v58, v57;
	v58 =	vadd.f32 v60, v59;
	v18 =	vld [tilespmem:s24+$0x600];
	v59 =	vpop (erf);
	(erf) = vpow2.f32 v24  }
0x97: {  	vm1 =	vgt.f32 v41, v40;
	v40 =	vadd.f32 v62, v61;
	v0 =	vadd.f32 v0, v63;
	v24 =	vld [tilespmem:s24+$0x680];
	v41 =	vpop (erf)  }
0x98: {  	vm2 =	vgt.f32 v38, v37;
	v1 =	vadd.f32 v28, v1;
	v37 =	vadd.f32 v30, v29;
	v27 =	vld [tilespmem:s24+$0x700];
	v30 =	vpop (erf)  }
0x99: {  	vm3 =	vgt.f32 v35, v33;
	v33 =	vadd.f32 v46, v42;
	v4 =	vadd.f32 v4, v49;
	v28 =	vld [tilespmem:s24+$0x780];
	v35 =	vpop (erf)  }
0x9a: {  	vm4 =	vgt.f32 v34, v31;
	v31 =	vadd.f32 v41, v59;
	v29 =	vld [tilespmem:s24+$0x800];
	v34 =	vadd.f32 v35, v30  }
0x9b: {  	v0 =	vadd.f32 v0, v40;
	v1 =	vadd.f32 v37, v1;
	v35 =	vsel vm0, v39, v32;
	v30 =	vld [tilespmem:s24+$0x880]  }
0x9c: {  	v4 =	vadd.f32 v4, v33;
	vm0 =	vgt.f32 v22, v36;
	v32 =	vld [tilespmem:s24+$0x1900];
	v22 =	vadd.f32 v34, v31  }
0x9d: {  	v33 =	vsel vm2, v47, v45;
	v31 =	vsel vm1, v44, v43;
	v34 =	vadd.f32 v58, v57;
	v39 =	vld [tilespmem:s24+$0x1980]  }
0x9e: {  	v0 =	vadd.f32 v1, v0;
	v36 =	vsel vm3, v50, v48;
	v42 =	vld [tilespmem:s24+$0x1A00];
	v1 =	vadd.f32 v22, v4  }
0x9f: {  	v2 =	vsel vm4, v3, v2;
	vm2 =	vgt.f32 v25, v23;
	vm1 =	vgt.f32 v26, v21;
	v43 =	vld [tilespmem:s24+$0x1A80];
	v3 =	vpop (erf)  }
0xa0: {  	v4 =	vsel vm0, $0x14, v35;
	v44 =	vld [tilespmem:s24+$0x1B00];
	v3 =	vadd.f32 v34, v3;
	v0 =	vadd.f32 v1, v0  }
0xa1: {  	v2 =	vsel vm2, v2, v36;
	vm0 =	vgt.f32 v20, v19;
	v1 =	vsel vm1, v33, v31;
	v45 =	vld [tilespmem:s24+$0x1B80]  }
0xa2: {  	v1 =	vsel vm0, v2, v1;
	vm0 =	vgt.f32 v15, v17;
	v46 =	vld [tilespmem:s24+$0x1C00];
	v0 =	vadd.f32 v0, v3  }
0xa3: {  	vm3 =	vlt.f32 v51, v11;
	vm2 =	vlt.f32 v52, v12;
	v1 =	vsel vm0, v4, v1;
	v47 =	vld [tilespmem:s24+$0x1C80]  }
0xa4: {  	vm4 =	vge.f32 v52, $0.0e+00;
	vm1 =	vge.f32 v51, $0.0e+00;
	(erf) = vrcp.f32 v0  }
0xa5: {  	v49 =	vmax.f32 v55, v56;
	v48 =	vmax.f32 v53, v54;
	vm0 =	vgt.f32 v54, v53  }
0xa6: {  	v40 =	vmax.f32 v14, v16;
	v41 =	vmax.f32 v18, v24;
	v37 =	vmax.f32 v27, v28;
	v22 =	vld [tilespmem:s24+$0x2F00]  }
0xa7: {  	v38 =	vmax.f32 v29, v30;
	v33 =	vmax.f32 v32, v39;
	v35 =	vmax.f32 v42, v43  }
0xa8: {  	v21 =	vmax.f32 v40, v41;
	v31 =	vmax.f32 v44, v45;
	v34 =	vmax.f32 v46, v47;
	v0 =	vld.idx.msk [tilespmem:v1+s16+$0x0], $0xffff  }
0xa9: {  	v26 =	vmax.f32 v37, v38;
	v23 =	vmax.f32 v33, v35;
	v25 =	vmax.f32 v31, v34  }
0xaa: {  	v36 =	vmax.f32 v48, v49;
	v19 =	vmax.f32 v21, v26;
	v20 =	vmax.f32 v23, v25  }
0xab: {  	vm4 =	vmand vm1, vm4;
	v15 =	vmax.f32 v36, v22;
	v17 =	vmax.f32 v19, v20  }
0xac: {  	vm1 =	vgt.f32 v56, v55;
	vm3 =	vmand vm4, vm3;
	v50 =	vmax.f32 v17, v15  }
0xad: {  	vm2 =	vmand vm2, vm3;
	v2 =	vsub.f32 v53, v50;
	v3 =	vsub.f32 v54, v50;
	v4 =	vpop (erf)  }
0xae: {  	v53 =	vsub.f32 v55, v50;
	v54 =	vsub.f32 v56, v50;
	vm3 =	vge.f32 v4, v0  }
0xaf: {  	v0 =	vsub.f32 v14, v50;
	v2 =	vmul.f32 $1.442695020e+00, v2;
	vm2 =	vmand vm2, vm3  }
0xb0: {  	v4 =	vsub.f32 v16, v50;
	v3 =	vmul.f32 $1.442695020e+00, v3;
	v51 =	vnsel vm2, $0xBF800000, v51  }
.Ltmp2:
0xb1: {  	v53 =	vmul.f32 $1.442695020e+00, v53;
	(erf) = vpow2.f32 v2;
	[tilespmem:s23+$0x4180] =	vst v51;
	v2 =	vnsel vm2, $0xBF800000, v52;
	(pc) =	sbr.rel @p1 .LBB2_2-.Ltmp2, $4  }
0xb2: {  	s1 =	sadd.s32 $0x10, s1;
	v1 =	vnsel vm2, $0xFFFFFFFF, v1;
	v52 =	vmul.f32 $1.442695020e+00, v54;
	(erf) = vpow2.f32 v3;
	[tilespmem:s23+$0x4200] =	vst v2  }
0xb3: {  	v0 =	vmul.f32 $1.442695020e+00, v0;
	v2 =	vsub.f32 v18, v50;
	(erf) = vpow2.f32 v53;
	[tilespmem:s1+$0x0] =	vst v1  }
0xb4: {  	v51 =	vmul.f32 $1.442695020e+00, v4;
	v53 =	vsub.f32 v24, v50;
	(erf) = vpow2.f32 v52  }
0xb5: {  	s22 =	sadd.s32 $0x1, s22;
	v54 =	vsub.f32 v27, v50;
	v52 =	vmul.f32 $1.442695020e+00, v2;
	(erf) = vpow2.f32 v0  }
0xb6: {  	v0 =	vmul.f32 $1.442695020e+00, v53;
	v1 =	vsub.f32 v28, v50  }
0xb7: {  	(erf) = vpow2.f32 v51;
	v3 =	vsub.f32 v29, v50;
	v2 =	vmul.f32 $1.442695020e+00, v54  }
0xb8: {  	v4 =	vsub.f32 v30, v50;
	(erf) = vpow2.f32 v52;
	v1 =	vmul.f32 $1.442695020e+00, v1  }
0xb9: {  	(erf) = vpow2.f32 v0;
	v0 =	vmul.f32 $1.442695020e+00, v3;
	v3 =	vsub.f32 v32, v50  }
0xba: {  	(erf) = vpow2.f32 v2;
	v2 =	vmul.f32 $1.442695020e+00, v4  }
0xbb: {  	v60 =	vsub.f32 v42, v50;
	v3 =	vmul.f32 $1.442695020e+00, v3  }
0xbc: {  	v4 =	vsub.f32 v39, v50;
	(erf) = vpow2.f32 v1;
	v1 =	vpop (erf)  }
0xbd: {  	v61 =	vsub.f32 v43, v50;
	v51 =	vmul.f32 $1.442695020e+00, v60;
	(erf) = vpow2.f32 v0;
	v0 =	vpop (erf)  }
0xbe: {  	v63 =	vsub.f32 v45, v50;
	v4 =	vmul.f32 $1.442695020e+00, v4;
	(erf) = vpow2.f32 v2;
	v2 =	vpop (erf)  }
0xbf: {  	v62 =	vsub.f32 v44, v50;
	v52 =	vmul.f32 $1.442695020e+00, v61;
	(erf) = vpow2.f32 v3;
	v3 =	vpop (erf)  }
0xc0: {  	v60 =	vsub.f32 v46, v50;
	v61 =	vmul.f32 $1.442695020e+00, v63;
	(erf) = vpow2.f32 v4;
	v55 =	vpop (erf)  }
0xc1: {  	v4 =	vmul.f32 $1.442695020e+00, v62;
	v62 =	vsub.f32 v47, v50;
	(erf) = vpow2.f32 v51;
	v56 =	vpop (erf)  }
0xc2: {  	v63 =	vmul.f32 $1.442695020e+00, v60;
	(erf) = vpow2.f32 v52;
	v57 =	vpop (erf)  }
0xc3: {  	(erf) = vpow2.f32 v4;
	v4 =	vmul.f32 $1.442695020e+00, v62;
	v53 =	vpop (erf)  }
0xc4: {  	vm2 =	vgt.f32 v16, v14;
	vm3 =	vgt.f32 v24, v18;
	(erf) = vpow2.f32 v61;
	v54 =	vpop (erf)  }
0xc5: {  	vm4 =	vgt.f32 v28, v27;
	vm5 =	vgt.f32 v30, v29;
	(erf) = vpow2.f32 v63;
	v14 =	vpop (erf)  }
0xc6: {  	vm6 =	vgt.f32 v39, v32;
	vm7 =	vgt.f32 v43, v42;
	v58 =	vpop (erf);
	(erf) = vpow2.f32 v4  }
0xc7: {  	vm8 =	vgt.f32 v45, v44;
	vm9 =	vgt.f32 v47, v46;
	v59 =	vsub.f32 v22, v50;
	v4 =	vpop (erf)  }
0xc8: {  	v27 =	vsel vm0, $0x11, v13;
	v13 =	vimm.s32 $0x12;
	vm11 =	vgt.f32 v49, v48;
	v60 =	vpop (erf)  }
0xc9: {  	vm12 =	vgt.f32 v41, v40;
	vm13 =	vgt.f32 v38, v37;
	vm14 =	vgt.f32 v35, v33;
	v61 =	vpop (erf)  }
0xca: {  	vm15 =	vgt.f32 v34, v31;
	v28 =	vsel vm1, $0x13, v13;
	v18 =	vmul.f32 $1.442695020e+00, v59;
	v62 =	vpop (erf)  }
0xcb: {  	v30 =	vsel vm2, $0x1, v5;
	v42 =	vsel vm4, $0x5, v7;
	v43 =	vsel vm5, $0x7, v8;
	v63 =	vpop (erf)  }
0xcc: {  	v0 =	vadd.f32 v0, v1;
	v1 =	vadd.f32 v3, v2;
	(erf) = vpow2.f32 v18;
	v2 =	vpop (erf)  }
0xcd: {  	v44 =	vsel vm6, $0x9, v9;
	v52 =	vadd.f32 v56, v55;
	v55 =	vadd.f32 v53, v57;
	v56 =	vpop (erf)  }
0xce: {  	v5 =	vimm.s32 $0xC;
	v14 =	vadd.f32 v14, v54;
	v4 =	vadd.f32 v4, v58;
	v58 =	vpop (erf)  }
0xcf: {  	vm6 =	vgt.f32 v22, v36;
	v24 =	vadd.f32 v61, v60;
	v60 =	vadd.f32 v63, v62;
	v61 =	vpop (erf)  }
0xd0: {  	v32 =	vsel vm3, $0x3, v6;
	v2 =	vadd.f32 v56, v2;
	v16 =	vadd.f32 v61, v58  }
0xd1: {  	v3 =	vsel vm7, $0xB, v10;
	v18 =	vadd.f32 v55, v52;
	v4 =	vadd.f32 v4, v14  }
0xd2: {  	vm7 =	vgt.f32 v26, v21;
	v14 =	vadd.f32 v60, v24;
	v2 =	vadd.f32 v16, v2  }
0xd3: {  	v3 =	vsel vm14, v3, v44;
	v0 =	vadd.f32 v1, v0;
	v57 =	vsel vm8, $0xD, v5  }
0xd4: {  	v5 =	vimm.s32 $0xE;
	v1 =	vadd.f32 v4, v18;
	v2 =	vadd.f32 v2, v14  }
0xd5: {  	vm8 =	vgt.f32 v25, v23;
	v59 =	vsel vm9, $0xF, v5;
	vm9 =	vgt.f32 v20, v19;
	v63 =	vpop (erf)  }
0xd6: {  	v62 =	vsel vm11, v28, v27;
	v0 =	vadd.f32 v0, v63;
	v1 =	vadd.f32 v2, v1  }
0xd7: {  	v4 =	vsel vm12, v32, v30;
	v14 =	vsel vm13, v43, v42;
	v2 =	vsel vm15, v59, v57  }
0xd8: {  	s0 =	sshll.u32 s0, $0x5;
	v4 =	vsel vm7, v14, v4;
	v2 =	vsel vm8, v2, v3;
	v0 =	vadd.f32 v1, v0  }
0xd9: {  	vm10 =	vgt.f32 v15, v17;
	s0 =	sand.u32 $0xFFFFFF00, s0;
	v1 =	vsel vm6, $0x14, v62;
	v2 =	vsel vm9, v2, v4  }
0xda: {  	s0 =	sor.u32 s30, s0;
	v1 =	vsel vm10, v1, v2;
	(erf) = vrcp.f32 v0  }
0xdb: {  	v2 =	vld [tilespmem:s0+$0x80]  }
0xdc: {  	v0 =	vld [tilespmem:s0+$0x0];
	_ =	sdelay $0x2  }
0xdd: {  	v3 =	vld.idx.msk [tilespmem:v1+s16+$0x0], $0xffff;
	_ =	sdelay $0x1  }
0xde: {  	vm12 =	vge.f32 v2, $0.0e+00;
	vm11 =	vge.f32 v0, $0.0e+00  }
0xdf: {  	vm13 =	vlt.f32 v0, v11;
	vm0 =	vmand vm11, vm12  }
0xe0: {  	vm14 =	vlt.f32 v2, v12;
	vm0 =	vmand vm0, vm13;
	v4 =	vpop (erf)  }
0xe1: {  	vm0 =	vmand vm14, vm0;
	vm15 =	vge.f32 v4, v3  }
0xe2: {  	vm0 =	vmand vm0, vm15  }
0xe3: {  	v0 =	vnsel vm0, $0xBF800000, v0  }
0xe4: {  	[tilespmem:s0+$0x4180] =	vst v0;
	v0 =	vnsel vm0, $0xBF800000, v2  }
0xe5: {  	s31 =	sadd.s32 $0x10, s1;
	[tilespmem:s0+$0x4200] =	vst v0;
	v0 =	vnsel vm0, $0xFFFFFFFF, v1  }
0xe6: {  	[tilespmem:s31+$0x0] =	vst v0  }
0xe7: {  	[hbm4b:s6+s2] =	stream.linear.scatter [tilespmem:s20], [sflag:$0x1], $0x500, $0x38;
	[tilespmem:$0x5780] =	vst v63  }
0xe8: {  	_ = 	snop  }
0xe9: {  	[hbm4b:s7+s2] =	stream.linear.scatter [tilespmem:s21], [sflag:$0x2], $0x280, $0x38;
	[tilespmem:$0x5780] =	vst v63  }
0xea: {  	_ =	swait.ge [sflag:s17], $0x500  }
.Ltmp3:
0xeb: {  	[sflag:s17] =	ssyncset.done $0x0;
	(pc) =	sbr.rel @p0 .LBB2_5-.Ltmp3, $4  }
0xec: {  	[sflag:s17] =	ssyncadd.s32 $0xFFFFFB00  }
0xed: {  	v7 =	vimm.s32 $0x6;
	_ =	swait.ge [sflag:s18], $0x280  }
0xee: {  	v8 =	vimm.s32 $0x8;
	v9 =	vimm.s32 $0xA;
	v6 =	vimm.s32 $0x4;
	[sflag:s18] =	ssyncset.done $0x0  }
0xef: {  	v10 =	vimm.s32 $0xC;
	v5 =	vimm.s32 $0x2;
	v2 =	vimm.s32 $0xE;
	[sflag:s18] =	ssyncadd.s32 $0xFFFFFD80  }
0xf0: {  	s0 =	simm.s32 $0x400;
	s1 =	simm.s32 $0x4900  }
0xf1: {  	[tilespmem:s1], [sflag:$0x1] =	stream.strided.gather [hbm4b:s8+s0], $0x800, s14, s0, $0x38;
	[tilespmem:$0x5780] =	vst v63  }
0xf2: {  	s30 =	sadd.s32 $0x9D00, s8;
	s31 =	simm.s32 $0x5100  }
0xf3: {  	[tilespmem:s31], [sflag:$0x1] =	stream.linear.gather [hbm4b:s30+s2], $0x280, $0x38;
	[tilespmem:$0x5780] =	vst v63  }
0xf4: {  	_ = 	snop  }
0xf5: {  	[tilespmem:s25], [sflag:$0x2] =	stream.linear.gather [hbm4b:s9+s2], $0x100, $0x38;
	[tilespmem:$0x5780] =	vst v63  }
0xf6: {  	_ =	swait.ge [sflag:s17], $0xA80  }
0xf7: {  	[sflag:s17] =	ssyncset.done $0x0  }
0xf8: {  	[sflag:s17] =	ssyncadd.s32 $0xFFFFF580  }
0xf9: {  	_ =	swait.ge [sflag:s18], $0x100  }
0xfa: {  	[sflag:s18] =	ssyncset.done $0x0  }
0xfb: {  	[sflag:s18] =	ssyncadd.s32 $0xFFFFFF00  }
0xfc: {  	v0 =	vld [tilespmem:$0x4900]  }
0xfd: {  	v1 =	vld [tilespmem:$0x4980]  }
0xfe: {  	v2 =	vld [tilespmem:$0x4A00]  }
0xff: {  	v3 =	vld [tilespmem:$0x4A80]  }
0x100: {  	v4 =	vld [tilespmem:$0x4B00]  }
0x101: {  	v17 =	vld [tilespmem:$0x4B80]  }
0x102: {  	v18 =	vld [tilespmem:$0x4C00]  }
0x103: {  	v19 =	vld [tilespmem:$0x4C80]  }
0x104: {  	v20 =	vld [tilespmem:$0x4D00]  }
0x105: {  	v21 =	vld [tilespmem:$0x4D80]  }
0x106: {  	v23 =	vld [tilespmem:$0x4E00]  }
0x107: {  	v24 =	vld [tilespmem:$0x4E80]  }
0x108: {  	v25 =	vld [tilespmem:$0x4F00]  }
0x109: {  	v32 =	vld [tilespmem:$0x4F80]  }
0x10a: {  	v33 =	vld [tilespmem:$0x5000]  }
0x10b: {  	v34 =	vld [tilespmem:$0x5080]  }
0x10c: {  	v35 =	vld [tilespmem:$0x5100]  }
0x10d: {  	v36 =	vld [tilespmem:$0x5180]  }
0x10e: {  	v37 =	vld [tilespmem:$0x5200]  }
0x10f: {  	v5 =	vimm.s32 $0x12;
	v38 =	vld [tilespmem:$0x5280]  }
0x110: {  	v6 =	vimm.s32 $0x2;
	v13 =	vimm.s32 $0x0;
	vm0 =	vgt.f32 v1, v0  }
0x111: {  	v39 =	vmax.f32 v0, v1;
	v41 =	vmax.f32 v2, v3;
	v42 =	vmax.f32 v4, v17  }
0x112: {  	v43 =	vmax.f32 v18, v19;
	v44 =	vmax.f32 v20, v21;
	v45 =	vmax.f32 v23, v24  }
0x113: {  	v46 =	vmax.f32 v25, v32;
	v47 =	vmax.f32 v33, v34;
	v48 =	vmax.f32 v35, v36  }
0x114: {  	v49 =	vmax.f32 v37, v38;
	vm5 =	vgt.f32 v3, v2;
	vm6 =	vgt.f32 v17, v4  }
0x115: {  	vm7 =	vgt.f32 v19, v18;
	vm8 =	vgt.f32 v21, v20;
	vm9 =	vgt.f32 v24, v23  }
0x116: {  	vm10 =	vgt.f32 v32, v25;
	vm11 =	vgt.f32 v34, v33;
	vm12 =	vgt.f32 v36, v35  }
0x117: {  	vm1 =	vgt.f32 v38, v37;
	v40 =	vsel vm0, $0x1, v13;
	v26 =	vmax.f32 v39, v41  }
0x118: {  	v14 =	vld [tilespmem:$0x5300];
	v31 =	vmax.f32 v42, v43;
	v29 =	vmax.f32 v44, v45;
	v30 =	vmax.f32 v46, v47  }
0x119: {  	v28 =	vmax.f32 v48, v49;
	v50 =	vsel vm5, $0x3, v6;
	v6 =	vimm.s32 $0x4  }
0x11a: {  	v53 =	vsel vm7, $0x7, v7;
	v54 =	vsel vm8, $0x9, v8;
	vm2 =	vgt.f32 v41, v39  }
0x11b: {  	v60 =	vld [tilespmem:$0x4910];
	v13 =	vimm.s32 $0x10;
	vm13 =	vgt.f32 v43, v42;
	vm14 =	vgt.f32 v45, v44  }
0x11c: {  	v62 =	vld [tilespmem:$0x4990];
	vm15 =	vgt.f32 v47, v46;
	v22 =	vmax.f32 v26, v31;
	v27 =	vmax.f32 v29, v30  }
0x11d: {  	vm4 =	vgt.f32 v49, v48;
	v15 =	vmax.f32 v28, v14;
	v16 =	vmax.f32 v22, v27  }
0x11e: {  	v52 =	vsel vm6, $0x5, v6;
	vm5 =	vgt.f32 v31, v26;
	v51 =	vmax.f32 v16, v15  }
0x11f: {  	vm6 =	vgt.f32 v30, v29;
	vm7 =	vgt.f32 v14, v28;
	v0 =	vsub.f32 v0, v51  }
0x120: {  	v53 =	vsel vm13, v53, v52;
	vm8 =	vgt.f32 v27, v22;
	v1 =	vsub.f32 v1, v51  }
0x121: {  	vm13 =	vgt.f32 v62, v60;
	v2 =	vsub.f32 v2, v51;
	v0 =	vmul.f32 $1.442695020e+00, v0  }
0x122: {  	v3 =	vsub.f32 v3, v51;
	v41 =	vsub.f32 v14, v51;
	v1 =	vmul.f32 $1.442695020e+00, v1  }
0x123: {  	(erf) = vpow2.f32 v0;
	v0 =	vmul.f32 $1.442695020e+00, v2;
	v2 =	vsub.f32 v4, v51  }
0x124: {  	(erf) = vpow2.f32 v1;
	v1 =	vmul.f32 $1.442695020e+00, v3;
	v3 =	vsub.f32 v17, v51  }
0x125: {  	(erf) = vpow2.f32 v0;
	v0 =	vmul.f32 $1.442695020e+00, v2;
	v2 =	vsub.f32 v18, v51  }
0x126: {  	(erf) = vpow2.f32 v1;
	v1 =	vmul.f32 $1.442695020e+00, v3;
	v3 =	vsub.f32 v19, v51  }
0x127: {  	(erf) = vpow2.f32 v0;
	v0 =	vmul.f32 $1.442695020e+00, v2;
	v2 =	vsub.f32 v20, v51  }
0x128: {  	(erf) = vpow2.f32 v1;
	v1 =	vmul.f32 $1.442695020e+00, v3;
	v3 =	vsub.f32 v21, v51  }
0x129: {  	(erf) = vpow2.f32 v0;
	v0 =	vmul.f32 $1.442695020e+00, v2;
	v2 =	vsub.f32 v23, v51  }
0x12a: {  	v23 =	vsel vm9, $0xB, v9;
	vm9 =	vgt.f32 v15, v16;
	(erf) = vpow2.f32 v1  }
0x12b: {  	v15 =	vld [tilespmem:$0x5500];
	v1 =	vmul.f32 $1.442695020e+00, v3;
	v3 =	vsub.f32 v24, v51;
	v24 =	vsel vm10, $0xD, v10  }
0x12c: {  	(erf) = vpow2.f32 v0;
	v0 =	vmul.f32 $1.442695020e+00, v2;
	v2 =	vsub.f32 v25, v51  }
0x12d: {  	v4 =	vpop (erf);
	(erf) = vpow2.f32 v1;
	v1 =	vmul.f32 $1.442695020e+00, v3;
	v3 =	vsub.f32 v32, v51  }
0x12e: {  	v44 =	vld [tilespmem:$0x5090];
	v25 =	vsel vm12, $0x11, v13;
	v55 =	vpop (erf);
	(erf) = vpow2.f32 v0;
	v0 =	vmul.f32 $1.442695020e+00, v2  }
0x12f: {  	v45 =	vld [tilespmem:$0x5110];
	v2 =	vsub.f32 v33, v51;
	v56 =	vpop (erf);
	(erf) = vpow2.f32 v1;
	v1 =	vmul.f32 $1.442695020e+00, v3  }
0x130: {  	v47 =	vld [tilespmem:$0x5290];
	v3 =	vsub.f32 v34, v51;
	v4 =	vadd.f32 v55, v4;
	vm10 =	vge.f32 v15, $0.0e+00  }
0x131: {  	v26 =	vld [tilespmem:$0x4F10];
	v57 =	vpop (erf);
	(erf) = vpow2.f32 v0;
	v0 =	vmul.f32 $1.442695020e+00, v2;
	v2 =	vsub.f32 v35, v51  }
0x132: {  	v17 =	vld [tilespmem:$0x4C10];
	v58 =	vpop (erf);
	(erf) = vpow2.f32 v1;
	v1 =	vmul.f32 $1.442695020e+00, v3;
	v3 =	vsub.f32 v36, v51  }
0x133: {  	v16 =	vld [tilespmem:$0x5580];
	vm12 =	vlt.f32 v15, v11;
	v59 =	vpop (erf);
	(erf) = vpow2.f32 v0;
	v0 =	vmul.f32 $1.442695020e+00, v2  }
0x134: {  	v18 =	vld [tilespmem:$0x4B10];
	v61 =	vpop (erf);
	(erf) = vpow2.f32 v1;
	v1 =	vmul.f32 $1.442695020e+00, v3;
	v3 =	vsub.f32 v38, v51  }
0x135: {  	v19 =	vld [tilespmem:$0x4C90];
	v35 =	vsel vm1, $0x13, v5;
	v2 =	vsub.f32 v37, v51;
	v63 =	vpop (erf);
	(erf) = vpow2.f32 v0  }
0x136: {  	v20 =	vld [tilespmem:$0x4D10];
	v5 =	vimm.s32 $0x2;
	v32 =	vpop (erf);
	(erf) = vpow2.f32 v1;
	v1 =	vmul.f32 $1.442695020e+00, v3  }
0x137: {  	v21 =	vld [tilespmem:$0x4B90];
	v36 =	vsel vm2, v50, v40;
	v35 =	vsel vm4, v35, v25;
	v0 =	vmul.f32 $1.442695020e+00, v2  }
0x138: {  	v57 =	vadd.f32 v57, v56;
	v25 =	vld [tilespmem:$0x4E90];
	v36 =	vsel vm5, v53, v36;
	vm5 =	vlt.f32 v16, v12;
	v33 =	vpop (erf)  }
0x139: {  	v51 =	vmul.f32 $1.442695020e+00, v41;
	v41 =	vsel vm14, v23, v54;
	v23 =	vld [tilespmem:$0x4D90];
	(erf) = vpow2.f32 v0;
	v34 =	vpop (erf)  }
0x13a: {  	v49 =	vadd.f32 v59, v58;
	v2 =	vld [tilespmem:$0x4A10];
	v0 =	vimm.s32 $0xE;
	(erf) = vpow2.f32 v1;
	v1 =	vpop (erf)  }
0x13b: {  	v4 =	vadd.f32 v57, v4;
	v3 =	vld [tilespmem:$0x4A90];
	v50 =	vadd.f32 v63, v61;
	v0 =	vsel vm11, $0xF, v0;
	v37 =	vpop (erf)  }
0x13c: {  	v57 =	vsel vm7, $0x14, v35;
	v33 =	vadd.f32 v33, v32;
	v0 =	vsel vm15, v0, v24;
	v24 =	vld [tilespmem:$0x4E10];
	v38 =	vpop (erf)  }
0x13d: {  	v32 =	vld [tilespmem:$0x4F90];
	v55 =	vadd.f32 v50, v49;
	v50 =	vmax.f32 v17, v19;
	vm11 =	vge.f32 v16, $0.0e+00;
	v42 =	vpop (erf)  }
0x13e: {  	v49 =	vld [tilespmem:$0x5190];
	vm0 =	vmand vm10, vm11;
	v0 =	vsel vm6, v0, v41;
	v54 =	vpop (erf);
	(erf) = vpow2.f32 v51  }
0x13f: {  	v1 =	vadd.f32 v1, v34;
	v0 =	vsel vm8, v0, v36;
	v53 =	vadd.f32 v38, v37;
	v37 =	vld [tilespmem:$0x5010]  }
0x140: {  	v4 =	vadd.f32 v55, v4;
	v14 =	vsel vm9, v57, v0;
	v38 =	vld [tilespmem:$0x5210];
	v39 =	vpop (erf);
	v54 =	vadd.f32 v54, v42  }
0x141: {  	v1 =	vadd.f32 v1, v33;
	v46 =	vmax.f32 v24, v25;
	v42 =	vmax.f32 v20, v23;
	v48 =	vpop (erf)  }
0x142: {  	v40 =	vmax.f32 v26, v32;
	v34 =	vmax.f32 v42, v46;
	v51 =	vpop (erf);
	v56 =	vadd.f32 v54, v53  }
0x143: {  	v31 =	vadd.f32 v48, v39;
	v48 =	vmax.f32 v18, v21;
	v39 =	vmax.f32 v45, v49;
	v52 =	vpop (erf)  }
0x144: {  	v22 =	vld [tilespmem:$0x5310];
	v43 =	vmax.f32 v37, v44;
	v29 =	vadd.f32 v52, v51;
	v1 =	vadd.f32 v56, v1  }
0x145: {  	v41 =	vmax.f32 v38, v47;
	v35 =	vmax.f32 v48, v50;
	v51 =	vmax.f32 v2, v3  }
0x146: {  	v58 =	vadd.f32 v29, v31;
	v1 =	vadd.f32 v1, v4;
	v4 =	vmax.f32 v60, v62  }
0x147: {  	v36 =	vmax.f32 v40, v43;
	v30 =	vmax.f32 v39, v41;
	v33 =	vmax.f32 v4, v51;
	v59 =	vpop (erf)  }
0x148: {  	v31 =	vmax.f32 v34, v36;
	v28 =	vmax.f32 v33, v35;
	v0 =	vadd.f32 v58, v59  }
0x149: {  	vm15 =	vgt.f32 v21, v18;
	v27 =	vmax.f32 v30, v22;
	v29 =	vmax.f32 v28, v31  }
0x14a: {  	vm7 =	vgt.f32 v23, v20;
	v0 =	vadd.f32 v1, v0;
	v1 =	vmax.f32 v29, v27  }
0x14b: {  	vm0 =	vmand vm0, vm12;
	vm6 =	vgt.f32 v19, v17;
	v61 =	vsub.f32 v60, v1  }
0x14c: {  	vm14 =	vgt.f32 v3, v2;
	(erf) = vrcp.f32 v0;
	v0 =	vsub.f32 v62, v1  }
0x14d: {  	vm0 =	vmand vm5, vm0;
	v63 =	vsub.f32 v2, v1;
	v52 =	vmul.f32 $1.442695020e+00, v61  }
0x14e: {  	vm9 =	vgt.f32 v32, v26;
	v2 =	vsub.f32 v3, v1;
	v0 =	vmul.f32 $1.442695020e+00, v0  }
0x14f: {  	v56 =	vsub.f32 v18, v1;
	v3 =	vmul.f32 $1.442695020e+00, v63;
	(erf) = vpow2.f32 v52  }
0x150: {  	(erf) = vpow2.f32 v0;
	v0 =	vmul.f32 $1.442695020e+00, v2;
	v2 =	vsub.f32 v21, v1  }
0x151: {  	v57 =	vsub.f32 v17, v1;
	(erf) = vpow2.f32 v3;
	v3 =	vmul.f32 $1.442695020e+00, v56  }
0x152: {  	(erf) = vpow2.f32 v0;
	v0 =	vmul.f32 $1.442695020e+00, v2;
	v2 =	vsub.f32 v19, v1  }
0x153: {  	v58 =	vsub.f32 v20, v1;
	(erf) = vpow2.f32 v3;
	v3 =	vmul.f32 $1.442695020e+00, v57  }
0x154: {  	(erf) = vpow2.f32 v0;
	v0 =	vmul.f32 $1.442695020e+00, v2;
	v2 =	vsub.f32 v23, v1  }
0x155: {  	v59 =	vsub.f32 v24, v1;
	(erf) = vpow2.f32 v3;
	v3 =	vmul.f32 $1.442695020e+00, v58  }
0x156: {  	(erf) = vpow2.f32 v0;
	v0 =	vmul.f32 $1.442695020e+00, v2;
	v2 =	vsub.f32 v25, v1  }
0x157: {  	v60 =	vsub.f32 v26, v1;
	v53 =	vpop (erf);
	(erf) = vpow2.f32 v3;
	v3 =	vmul.f32 $1.442695020e+00, v59  }
0x158: {  	v54 =	vpop (erf);
	(erf) = vpow2.f32 v0;
	v0 =	vmul.f32 $1.442695020e+00, v2;
	v2 =	vsub.f32 v32, v1  }
0x159: {  	v61 =	vsub.f32 v37, v1;
	v55 =	vpop (erf);
	(erf) = vpow2.f32 v3;
	v3 =	vmul.f32 $1.442695020e+00, v60  }
0x15a: {  	v56 =	vpop (erf);
	(erf) = vpow2.f32 v0;
	v0 =	vmul.f32 $1.442695020e+00, v2;
	v2 =	vsub.f32 v44, v1  }
0x15b: {  	v62 =	vsub.f32 v45, v1;
	v57 =	vpop (erf);
	(erf) = vpow2.f32 v3;
	v3 =	vmul.f32 $1.442695020e+00, v61  }
0x15c: {  	v58 =	vpop (erf);
	(erf) = vpow2.f32 v0;
	v0 =	vmul.f32 $1.442695020e+00, v2;
	v2 =	vsub.f32 v49, v1  }
0x15d: {  	v52 =	vsub.f32 v38, v1;
	v59 =	vpop (erf);
	(erf) = vpow2.f32 v3;
	v3 =	vmul.f32 $1.442695020e+00, v62  }
0x15e: {  	v60 =	vpop (erf);
	(erf) = vpow2.f32 v0;
	v0 =	vmul.f32 $1.442695020e+00, v2;
	v2 =	vsub.f32 v47, v1  }
0x15f: {  	v52 =	vmul.f32 $1.442695020e+00, v52;
	v61 =	vpop (erf);
	(erf) = vpow2.f32 v3;
	v3 =	vimm.s32 $0x0  }
0x160: {  	v3 =	vsel vm13, $0x1, v3;
	v63 =	vpop (erf);
	(erf) = vpow2.f32 v0;
	v0 =	vmul.f32 $1.442695020e+00, v2  }
0x161: {  	vm11 =	vgt.f32 v49, v45;
	vm8 =	vgt.f32 v25, v24;
	vm10 =	vgt.f32 v44, v37  }
0x162: {  	vm4 =	vgt.f32 v51, v4;
	v2 =	vsel vm14, $0x3, v5;
	v4 =	vpop (erf);
	(erf) = vpow2.f32 v52  }
0x163: {  	v1 =	vsub.f32 v22, v1;
	v2 =	vsel vm4, v2, v3;
	v3 =	vpop (erf);
	(erf) = vpow2.f32 v0  }
0x164: {  	vm12 =	vgt.f32 v47, v38;
	vm5 =	vgt.f32 v35, v33;
	v17 =	vsel vm15, $0x5, v6;
	v0 =	vpop (erf)  }
0x165: {  	v20 =	vsel vm6, $0x7, v7;
	vm15 =	vgt.f32 v43, v40;
	v1 =	vmul.f32 $1.442695020e+00, v1;
	v19 =	vpop (erf)  }
0x166: {  	vm6 =	vgt.f32 v36, v34;
	v23 =	vsel vm7, $0x9, v8;
	vm7 =	vgt.f32 v22, v30;
	v21 =	vpop (erf)  }
0x167: {  	v45 =	vadd.f32 v59, v58;
	v61 =	vadd.f32 v61, v60;
	(erf) = vpow2.f32 v1;
	v24 =	vpop (erf)  }
0x168: {  	v25 =	vsel vm8, $0xB, v9;
	v37 =	vadd.f32 v55, v54;
	v1 =	vadd.f32 v57, v56;
	v26 =	vpop (erf)  }
0x169: {  	vm8 =	vgt.f32 v31, v28;
	v4 =	vadd.f32 v4, v63;
	v60 =	vadd.f32 v61, v45;
	v44 =	vpop (erf)  }
0x16a: {  	v32 =	vsel vm9, $0xD, v10;
	v0 =	vadd.f32 v0, v3;
	v1 =	vadd.f32 v1, v37;
	v59 =	vpop (erf)  }
0x16b: {  	v62 =	vimm.s32 $0xE;
	v3 =	vadd.f32 v21, v19;
	v55 =	vadd.f32 v26, v24;
	v63 =	vpop (erf)  }
0x16c: {  	vm13 =	vgt.f32 v50, v48;
	v0 =	vadd.f32 v0, v4;
	v59 =	vadd.f32 v59, v44;
	v54 =	vpop (erf)  }
0x16d: {  	vm14 =	vgt.f32 v46, v42;
	v3 =	vadd.f32 v55, v3;
	v18 =	vadd.f32 v54, v63  }
0x16e: {  	v52 =	vsel vm10, $0xF, v62;
	v17 =	vsel vm13, v20, v17;
	v1 =	vadd.f32 v60, v1  }
0x16f: {  	vm4 =	vgt.f32 v41, v39;
	v61 =	vld.idx.msk [tilespmem:v14+s16+$0x0], $0xffff;
	v0 =	vadd.f32 v3, v0;
	v18 =	vadd.f32 v18, v59  }
0x170: {  	vm10 =	vgt.f32 v27, v29;
	v56 =	vsel vm11, $0x11, v13;
	v57 =	vimm.s32 $0x12;
	v63 =	vpop (erf)  }
0x171: {  	v58 =	vsel vm12, $0x13, v57;
	v0 =	vadd.f32 v0, v1;
	v18 =	vadd.f32 v18, v63  }
0x172: {  	v62 =	vsel vm4, v58, v56;
	v4 =	vsel vm14, v25, v23;
	v3 =	vsel vm15, v52, v32  }
0x173: {  	v1 =	vsel vm5, v17, v2;
	v2 =	vsel vm6, v3, v4;
	v0 =	vadd.f32 v0, v18  }
0x174: {  	vm9 =	vge.f32 v53, v61;
	v3 =	vsel vm7, $0x14, v62;
	v1 =	vsel vm8, v2, v1  }
0x175: {  	vm0 =	vmand vm0, vm9;
	v1 =	vsel vm10, v3, v1;
	(erf) = vrcp.f32 v0  }
0x176: {  	v2 =	vld [tilespmem:$0x5510];
	v0 =	vnsel vm0, $0xBF800000, v15  }
0x177: {  	v3 =	vld [tilespmem:$0x5590];
	[tilespmem:$0x5600] =	vst v0;
	v0 =	vnsel vm0, $0xBF800000, v16  }
0x178: {  	[tilespmem:$0x5680] =	vst v0;
	v0 =	vnsel vm0, $0xFFFFFFFF, v14  }
0x179: {  	[tilespmem:$0x5700] =	vst v0  }
0x17a: {  	v0 =	vld.idx.msk [tilespmem:v1+s16+$0x0], $0xffff;
	_ =	sdelay $0x1  }
0x17b: {  	vm11 =	vge.f32 v2, $0.0e+00;
	vm12 =	vge.f32 v3, $0.0e+00  }
0x17c: {  	vm13 =	vlt.f32 v2, v11;
	vm0 =	vmand vm11, vm12  }
0x17d: {  	vm14 =	vlt.f32 v3, v12;
	vm0 =	vmand vm0, vm13;
	v4 =	vpop (erf)  }
0x17e: {  	vm0 =	vmand vm14, vm0;
	vm15 =	vge.f32 v4, v0  }
0x17f: {  	vm0 =	vmand vm0, vm15  }
0x180: {  	v0 =	vnsel vm0, $0xBF800000, v2  }
0x181: {  	[tilespmem:$0x5610] =	vst v0;
	v0 =	vnsel vm0, $0xBF800000, v3  }
0x182: {  	[tilespmem:$0x5690] =	vst v0;
	v0 =	vnsel vm0, $0xFFFFFFFF, v1  }
0x183: {  	[tilespmem:$0x5710] =	vst v0  }
0x184: {  	[hbm4b:s10+s2] =	stream.linear.scatter [tilespmem:s26], [sflag:$0x1], $0x100, $0x38;
	[tilespmem:$0x5780] =	vst v63  }
0x185: {  	_ = 	snop  }
0x186: {  	[hbm4b:s11+s2] =	stream.linear.scatter [tilespmem:s28], [sflag:$0x2], $0x20, $0x38;
	[tilespmem:$0x5780] =	vst v63  }
0x187: {  	_ =	swait.ge [sflag:s17], $0x100  }
.Ltmp4:
0x188: {  	[sflag:s17] =	ssyncset.done $0x0;
	(pc) =	sbr.rel .LBB2_5-.Ltmp4, $4  }
0x189: {  	[sflag:s17] =	ssyncadd.s32 $0xFFFFFF00  }
0x18a: {  	_ =	swait.ge [sflag:s18], $0x20  }
0x18b: {  	[sflag:s18] =	ssyncset.done $0x0  }
0x18c: {  	v2 =	vimm.s32 $0xE;
	[sflag:s18] =	ssyncadd.s32 $0xFFFFFFE0  }
.LBB2_6:
0x18d: {  	_ =	sfence.sel $0x180000  }
0x18e: {  	[bflag:$0x0] =	sbarrier.arrive $0xFFFF  }
0x18f: {  	_ =	strace $0x90000047  }
0x190: {  	s0 =	stileid.u32;
	[bflag:$0x2] =	sbarrier.arrive $0xFFFF  }
0x191: {  	p0 =	sne.s32 s0, $0x0;
	s0 =	rddreg [dreg:$0x5]  }
0x192: {  	s0 =	sadd.s32 @!p0 $0x100000, s0  }
0x193: {  	[sflag:s0] =	ssyncadd.tile.s32 @!p0 $0x1;
	_ =	shalt  }
.Lfunc_end2:
_tile_overlayer_lowered:
.L_overlay_start_2:
0x194: {  	(tag) =	ssettag $0x2  }
0x195: {  	s0 =	rddreg [dreg:$0x0];
	s2 =	stileid.u32  }
0x196: {  	s1 =	rddreg [dreg:$0x1];
	p0 =	sne.s32 s2, $0x0  }
0x197: {  	s3 =	rddreg [dreg:$0x2];
	[bflag:$0x3] =	sbarrier.arrive $0xFFFF;
	s2 =	simm.s32 @!p0 $0x1C04  }
0x198: {  	[timem:s3], [sflag:s2] =	dma.local @!p0 [hbm:s0], s1  }
0x199: {  	s0 =	simm.s32 @!p0 $0x4  }
0x19a: {  	_ =	swait.ge @!p0 [sflag:s0], s1  }
0x19b: {  	s1 =	ssub.s32 @!p0 $0x0, s1;
	[sflag:s0] =	ssyncset.done @!p0 $0x0  }
0x19c: {  	[sflag:s0] =	ssyncadd.s32 @!p0 s1  }
0x19d: {  	[bflag:$0x3] =	sbarrier.arrive $0xFFFF  }
0x19e: {  	_ =	shalt  }

</sc_bundles>
